<compile_context>
chip_gen: v7x
topology: tpu7x:2x2x1
jax: 0.10.2.dev20260603
libtpu: 0.0.44.dev20260713+nightly
codegen_flags: <defaults>
</compile_context>

<pallas_src>
import functools

import jax
import jax.numpy as jnp
from jax import lax
from jax.experimental import pallas as pl
from jax.experimental.pallas import tpu as pltpu
from jax.experimental.pallas import tpu_sc as plsc

_SLOPE = 10.0
_BUDGET = 48
_LANES = 16


def _softplus_body(s_ref, mk_ref, p_ref, m_ref):
    p_ref[...] = (jax.nn.softplus(_SLOPE * s_ref[...]) / _SLOPE)[0]
    m_ref[...] = mk_ref[:, 0, 0, 0, :]


def _prep_rows(sampler, mask_t):
    nbatch = mask_t.shape[0]
    width = sampler.shape[1]
    return pl.pallas_call(
        _softplus_body,
        grid=(1,),
        in_specs=[
            pl.BlockSpec((1, width), lambda i: (0, 0)),
            pl.BlockSpec((nbatch, 1, 1, 1, width),
                         lambda i: (0, 0, 0, 0, 0)),
        ],
        out_specs=[
            pl.BlockSpec((width,), lambda i: (0,)),
            pl.BlockSpec((nbatch, width), lambda i: (0, 0)),
        ],
        out_shape=[
            jax.ShapeDtypeStruct((width,), jnp.float32),
            jax.ShapeDtypeStruct((nbatch, width), jnp.float32),
        ],
    )(sampler, mask_t)


def _lane_reduce(red_v, v, op):
    ii = lax.iota(jnp.int32, _LANES)
    for sh in (8, 4, 2, 1):
        red_v[...] = v
        v = op(v, plsc.load_gather(red_v, [ii ^ sh]))
    return v


def _policy_body(nbatch, width, prob_hbm, mask_hbm, thresh_hbm,
                 row_hbm, fp_hbm,
                 prob_v, m_v, t_v, row_v, fp_v, red_v, sem1, sem2, sem3):
    nchunk = width // _LANES
    wid = lax.axis_index("s") * 2 + lax.axis_index("c")

    @pl.when(wid < nbatch)
    def _():
        b = wid
        cp1 = pltpu.async_copy(prob_hbm, prob_v, sem1)
        cp2 = pltpu.async_copy(mask_hbm.at[b], m_v, sem2)
        cp3 = pltpu.async_copy(thresh_hbm.at[b], t_v, sem3)
        cp1.wait()
        cp2.wait()
        cp3.wait()

        dmax = (1.0 - m_v[pl.ds(0, _LANES)]) * prob_v[pl.ds(0, _LANES)]
        for i in range(1, nchunk):
            sl = pl.ds(_LANES * i, _LANES)
            dmax = jnp.maximum(dmax, (1.0 - m_v[sl]) * prob_v[sl])
        denom = _lane_reduce(red_v, dmax, jnp.maximum)

        cnt = jnp.zeros((_LANES,), jnp.float32)
        s1 = jnp.zeros((_LANES,), jnp.float32)
        for i in range(nchunk):
            sl = pl.ds(_LANES * i, _LANES)
            pm = prob_v[sl] / denom
            m = m_v[sl]
            mp = pm * (1.0 - m)
            z = (m == 0.0).astype(jnp.float32)
            cnt = cnt + z
            s1 = s1 + mp * z
        count = _lane_reduce(red_v, cnt, jnp.add)
        xbar = _lane_reduce(red_v, s1, jnp.add) / count
        sparsity = _BUDGET / count
        r = sparsity / xbar
        beta = (1.0 - sparsity) / (1.0 - xbar)
        le = (r <= 1.0).astype(jnp.float32)

        for i in range(nchunk):
            sl = pl.ds(_LANES * i, _LANES)
            pm = prob_v[sl] / denom
            m = m_v[sl]
            mp = pm * (1.0 - m)
            resc = le * mp * r + (1.0 - le) * (1.0 - (1.0 - mp) * beta)
            mp2 = jnp.where(m == 0.0, resc, mp)
            binv = (mp2 > t_v[sl]).astype(jnp.float32)
            row_v[sl] = m + binv
            fp_v[sl] = mp2

        co1 = pltpu.async_copy(row_v, row_hbm.at[b], sem1)
        co2 = pltpu.async_copy(fp_v, fp_hbm.at[b], sem2)
        co1.wait()
        co2.wait()


def _policy_rows(prob, mask1d, thresh):
    nbatch, width = mask1d.shape
    mesh = plsc.VectorSubcoreMesh(
        core_axis_name="c", subcore_axis_name="s", num_cores=2,
        num_subcores=16)
    return pl.kernel(
        functools.partial(_policy_body, nbatch, width),
        out_type=(
            jax.ShapeDtypeStruct((nbatch, width), jnp.float32),
            jax.ShapeDtypeStruct((nbatch, width), jnp.float32),
        ),
        mesh=mesh,
        compiler_params=pltpu.CompilerParams(needs_layout_passes=False),
        scratch_types=[
            pltpu.VMEM((width,), jnp.float32),
            pltpu.VMEM((width,), jnp.float32),
            pltpu.VMEM((width,), jnp.float32),
            pltpu.VMEM((width,), jnp.float32),
            pltpu.VMEM((width,), jnp.float32),
            pltpu.VMEM((_LANES,), jnp.float32),
            pltpu.SemaphoreType.DMA,
            pltpu.SemaphoreType.DMA,
            pltpu.SemaphoreType.DMA,
        ],
    )(prob, mask1d, thresh)


def _apply_body(rows_ref, fp_ref, k_ref, out_ref, mo_ref, fpb_ref):
    _, nc, h, _, width = k_ref.shape
    b = pl.program_id(0)
    r = rows_ref[pl.ds(b, 1), :]
    out_ref[...] = k_ref[...] * r[:, None, None, None, :]
    mo_ref[0, :, 0, :] = jnp.broadcast_to(r, (h, width))
    fpb_ref[0, :, 0, :] = jnp.broadcast_to(fp_ref[pl.ds(b, 1), :], (h, width))


def _apply_mask(ktr, row, fprow):
    nbatch, ncoil, h, _, width = ktr.shape
    grid = (nbatch,)
    return pl.pallas_call(
        _apply_body,
        grid=grid,
        in_specs=[
            pl.BlockSpec((nbatch, width), lambda b: (0, 0)),
            pl.BlockSpec((nbatch, width), lambda b: (0, 0)),
            pl.BlockSpec((1, ncoil, h, 2, width),
                         lambda b: (b, 0, 0, 0, 0)),
        ],
        out_specs=[
            pl.BlockSpec((1, ncoil, h, 2, width),
                         lambda b: (b, 0, 0, 0, 0)),
            pl.BlockSpec((1, h, 1, width), lambda b: (b, 0, 0, 0)),
            pl.BlockSpec((1, h, 1, width), lambda b: (b, 0, 0, 0)),
        ],
        out_shape=[
            jax.ShapeDtypeStruct(
                (nbatch, ncoil, h, 2, width), jnp.float32),
            jax.ShapeDtypeStruct((nbatch, h, 1, width), jnp.float32),
            jax.ShapeDtypeStruct((nbatch, h, 1, width), jnp.float32),
        ],
        compiler_params=pltpu.CompilerParams(
            vmem_limit_bytes=56 * 1024 * 1024),
    )(row, fprow, ktr)


def kernel(mask, kspace, sampler, thresh):
    nbatch, ncoil, h, width = kspace.shape[:4]
    mask_t = jnp.swapaxes(mask, 3, 4)
    prob, mask1d = _prep_rows(sampler, mask_t)
    row, fprow = _policy_rows(prob, mask1d, thresh)
    ktr = jnp.swapaxes(kspace, 3, 4)
    masked_t, mo, fpb = _apply_mask(ktr, row, fprow)
    masked_kspace = jnp.swapaxes(masked_t, 3, 4)
    mask_out = mo.reshape(nbatch, 1, h, width, 1)
    final_prob = fpb.reshape(nbatch, 1, h, width, 1)
    return masked_kspace, mask, mask_out, final_prob

# --- scband reference (transcript-rebuilt; emitter-appended) ---
"""Pipeline reference for scband-loupepolicy-76570676953367 (READ-ONLY COPY).

The authoritative reference and input builder live on the scoring server;
editing this copy changes nothing except your own understanding.
"""

import jax, jax.numpy as jnp
import numpy as np

ACCELERATION = 4.0
CENTER_FRACTION = 0.1
KSPACE_SHAPE = (320,)
USE_SOFTPLUS = True
SLOPE = 10.0
ST_SLOPE = 10.0
ST_CLAMP = False
FIX_SIGN_LEAKAGE = True
NUM_ACTIONS = int(np.prod(KSPACE_SHAPE))
BUDGET = int(NUM_ACTIONS / ACCELERATION - NUM_ACTIONS * CENTER_FRACTION)

B, C, H, W = 16, 8, 320, 320


def setup_inputs(seed: int = 0) -> dict:
    key = jax.random.key(seed)
    k1, k2, k3 = jax.random.split(key, 3)
    mask = jnp.zeros((B, 1, H, W, 1), dtype=jnp.float32)
    kspace = jax.random.normal(k1, (B, C, H, W, 2), dtype=jnp.float32)
    # learned sampler parameter: normal(mean=1, std=0.1), shape (1, num_actions)
    sampler = jnp.ones((1, NUM_ACTIONS), dtype=jnp.float32) + 0.1 * jax.random.normal(k2, (1, NUM_ACTIONS), dtype=jnp.float32)
    # uniform thresholds consumed by the straight-through binarizer (ThresholdSigmoidMask randomness)
    thresh = jax.random.uniform(k3, (B, NUM_ACTIONS), dtype=jnp.float32)
    return {"mask": mask, "kspace": kspace, "sampler": sampler, "thresh": thresh}


@jax.custom_vjp
def threshold_sigmoid(x, t):
    return (x > t).astype(x.dtype)


def _ts_fwd(x, t):
    return (x > t).astype(x.dtype), (x, t)


def _ts_bwd(res, g):
    x, t = res
    s = jax.nn.sigmoid(ST_SLOPE * (x - t))
    grad = g * ST_SLOPE * s * (1.0 - s)
    if ST_CLAMP:
        grad = jnp.clip(grad, -1.0, 1.0)
    return grad, jnp.zeros_like(t)


threshold_sigmoid.defvjp(_ts_fwd, _ts_bwd)


def _forward(mask, kspace, sampler, thresh):
    batch = kspace.shape[0]
    height, width = kspace.shape[2], kspace.shape[3]
    # sampling_ndim == 1: take one row of the mask, flatten to (batch, width)
    mask1d = mask[:, :, 0, :, :].reshape(batch, width)
    sampler_out = jnp.broadcast_to(sampler, (batch, sampler.shape[1]))
    if USE_SOFTPLUS:
        # torch F.softplus(x, beta=SLOPE) == softplus(SLOPE*x)/SLOPE
        prob_mask = jax.nn.softplus(SLOPE * sampler_out) / SLOPE
        denom = jnp.max((1.0 - mask1d) * prob_mask, axis=1, keepdims=True)
        prob_mask = prob_mask / denom
    else:
        prob_mask = jax.nn.sigmoid(SLOPE * sampler_out)
    masked_prob = prob_mask * (1.0 - mask1d)
    # vectorized rescale_probs restricted to positions where mask == 0
    zero = (mask1d == 0.0).astype(jnp.float32)
    count = jnp.sum(zero, axis=1, keepdims=True)
    sparsity = BUDGET / count
    xbar = jnp.sum(masked_prob * zero, axis=1, keepdims=True) / count
    r = sparsity / xbar
    beta = (1.0 - sparsity) / (1.0 - xbar)
    le = (r <= 1.0).astype(jnp.float32)
    rescaled = le * masked_prob * r + (1.0 - le) * (1.0 - (1.0 - masked_prob) * beta)
    masked_prob = jnp.where(mask1d == 0.0, rescaled, masked_prob)
    # straight-through binarizer
    flat_bin = threshold_sigmoid(masked_prob, thresh)
    acq = jnp.broadcast_to(flat_bin.reshape(batch, 1, 1, width, 1), (batch, 1, height, width, 1))
    final_prob = jnp.broadcast_to(masked_prob.reshape(batch, 1, 1, width, 1), (batch, 1, height, width, 1))
    mask_b = jnp.broadcast_to(mask1d.reshape(batch, 1, 1, width, 1), (batch, 1, height, width, 1))
    mask_out = mask_b + acq
    # torch.no_grad() block -> stop_gradient
    masked_kspace = jax.lax.stop_gradient(mask_out * kspace)
    if FIX_SIGN_LEAKAGE:
        fslm = jnp.where((kspace < 0.0) & (mask_out == 0.0), -1.0, 1.0)
        masked_kspace = masked_kspace * fslm
    return masked_kspace, mask, mask_out, final_prob


def reference(mask, kspace, sampler, thresh):
    # returns (masked_kspace, masks[0], masks[1], final_prob_mask)
    return _forward(mask, kspace, sampler, thresh)

if __name__ == "__main__":
    import jax
    _d = setup_inputs()
    print(jax.jit(kernel)(*tuple(_d.values())))

</pallas_src>

<mosaic_0001>
#map = affine_map<(d0, d1) -> (0)>
#map1 = affine_map<(d0, d1) -> (0, 0)>
module attributes {stable_mosaic.version = 14 : i64} {
  func.func @_policy_body(%arg0: i32, %arg1: i32, %arg2: memref<320xf32, #tpu.memory_space<hbm>>, %arg3: memref<16x320xf32, #tpu.memory_space<hbm>>, %arg4: memref<16x320xf32, #tpu.memory_space<hbm>>, %arg5: memref<16x320xf32, #tpu.memory_space<hbm>>, %arg6: memref<16x320xf32, #tpu.memory_space<hbm>>, %arg7: memref<320xf32, #tpu.memory_space<vmem>>, %arg8: memref<320xf32, #tpu.memory_space<vmem>>, %arg9: memref<320xf32, #tpu.memory_space<vmem>>, %arg10: memref<320xf32, #tpu.memory_space<vmem>>, %arg11: memref<320xf32, #tpu.memory_space<vmem>>, %arg12: memref<16xf32, #tpu.memory_space<vmem>>, %arg13: memref<!tpu.dma_semaphore, #tpu.memory_space<semaphore_mem>>, %arg14: memref<!tpu.dma_semaphore, #tpu.memory_space<semaphore_mem>>, %arg15: memref<!tpu.dma_semaphore, #tpu.memory_space<semaphore_mem>>) attributes {dimension_semantics = [#tpu.dimension_semantics<core_parallel>, #tpu.dimension_semantics<subcore_parallel>], iteration_bounds = array<i64: 2, 16>, scalar_prefetch = 0 : i64, scratch_operands = 9 : i64, tpu.core_type = #tpu.core_type<sc_vector_subcore>, window_params = [{transform_indices = #map}, {transform_indices = #map1}, {transform_indices = #map1}, {transform_indices = #map1}, {transform_indices = #map1}]} {
    %mul3A = arith.constant 2 : i32
    %mul3A_0 = arith.muli %arg1, %mul3A : i32
    %add3A = arith.addi %mul3A_0, %arg0 : i32
    %lt3A = arith.constant 16 : i32
    %lt3A_1 = arith.cmpi slt, %add3A, %lt3A : i32
    %convert_element_type3A = arith.extui %lt3A_1 : i1 to i32
    %cond3A = arith.constant 0 : i32
    %cond3A_2 = arith.cmpi ne, %convert_element_type3A, %cond3A : i32
    scf.if %cond3A_2 {
      tpu.enqueue_dma source(%arg2 : memref<320xf32, #tpu.memory_space<hbm>>) target(%arg7 : memref<320xf32, #tpu.memory_space<vmem>>) target_semaphore(%arg13 : memref<!tpu.dma_semaphore, #tpu.memory_space<semaphore_mem>>)
      %dma_start3A = arith.constant 0 : i32
      %dma_start3A_3 = tpu.memref_slice %arg3[%add3A, %dma_start3A] : memref<16x320xf32, #tpu.memory_space<hbm>> -> memref<1x320xf32, #tpu.memory_space<hbm>>
      %dma_start3A_4 = tpu.memref_squeeze %dma_start3A_3 : memref<1x320xf32, #tpu.memory_space<hbm>> -> memref<320xf32, #tpu.memory_space<hbm>>
      %dma_start3A_5 = arith.constant 0 : i32
      %dma_start3A_6 = tpu.memref_slice %arg3[%add3A, %dma_start3A_5] : memref<16x320xf32, #tpu.memory_space<hbm>> -> memref<1x320xf32, #tpu.memory_space<hbm>>
      %dma_start3A_7 = tpu.memref_squeeze %dma_start3A_6 : memref<1x320xf32, #tpu.memory_space<hbm>> -> memref<320xf32, #tpu.memory_space<hbm>>
      tpu.enqueue_dma source(%dma_start3A_7 : memref<320xf32, #tpu.memory_space<hbm>>) target(%arg8 : memref<320xf32, #tpu.memory_space<vmem>>) target_semaphore(%arg14 : memref<!tpu.dma_semaphore, #tpu.memory_space<semaphore_mem>>)
      %dma_start3A_8 = arith.constant 0 : i32
      %dma_start3A_9 = tpu.memref_slice %arg4[%add3A, %dma_start3A_8] : memref<16x320xf32, #tpu.memory_space<hbm>> -> memref<1x320xf32, #tpu.memory_space<hbm>>
      %dma_start3A_10 = tpu.memref_squeeze %dma_start3A_9 : memref<1x320xf32, #tpu.memory_space<hbm>> -> memref<320xf32, #tpu.memory_space<hbm>>
      %dma_start3A_11 = arith.constant 0 : i32
      %dma_start3A_12 = tpu.memref_slice %arg4[%add3A, %dma_start3A_11] : memref<16x320xf32, #tpu.memory_space<hbm>> -> memref<1x320xf32, #tpu.memory_space<hbm>>
      %dma_start3A_13 = tpu.memref_squeeze %dma_start3A_12 : memref<1x320xf32, #tpu.memory_space<hbm>> -> memref<320xf32, #tpu.memory_space<hbm>>
      tpu.enqueue_dma source(%dma_start3A_13 : memref<320xf32, #tpu.memory_space<hbm>>) target(%arg9 : memref<320xf32, #tpu.memory_space<vmem>>) target_semaphore(%arg15 : memref<!tpu.dma_semaphore, #tpu.memory_space<semaphore_mem>>)
      tpu.wait_dma2 semaphore(%arg13 : memref<!tpu.dma_semaphore, #tpu.memory_space<semaphore_mem>>) src(%arg2 : memref<320xf32, #tpu.memory_space<hbm>>) dst(%arg7 : memref<320xf32, #tpu.memory_space<vmem>>)
      %dma_wait3A = arith.constant 0 : i32
      %dma_wait3A_14 = tpu.memref_slice %arg3[%add3A, %dma_wait3A] : memref<16x320xf32, #tpu.memory_space<hbm>> -> memref<1x320xf32, #tpu.memory_space<hbm>>
      %dma_wait3A_15 = tpu.memref_squeeze %dma_wait3A_14 : memref<1x320xf32, #tpu.memory_space<hbm>> -> memref<320xf32, #tpu.memory_space<hbm>>
      %dma_wait3A_16 = arith.constant 0 : i32
      %dma_wait3A_17 = tpu.memref_slice %arg3[%add3A, %dma_wait3A_16] : memref<16x320xf32, #tpu.memory_space<hbm>> -> memref<1x320xf32, #tpu.memory_space<hbm>>
      %dma_wait3A_18 = tpu.memref_squeeze %dma_wait3A_17 : memref<1x320xf32, #tpu.memory_space<hbm>> -> memref<320xf32, #tpu.memory_space<hbm>>
      tpu.wait_dma2 semaphore(%arg14 : memref<!tpu.dma_semaphore, #tpu.memory_space<semaphore_mem>>) src(%dma_wait3A_18 : memref<320xf32, #tpu.memory_space<hbm>>) dst(%arg8 : memref<320xf32, #tpu.memory_space<vmem>>)
      %dma_wait3A_19 = arith.constant 0 : i32
      %dma_wait3A_20 = tpu.memref_slice %arg4[%add3A, %dma_wait3A_19] : memref<16x320xf32, #tpu.memory_space<hbm>> -> memref<1x320xf32, #tpu.memory_space<hbm>>
      %dma_wait3A_21 = tpu.memref_squeeze %dma_wait3A_20 : memref<1x320xf32, #tpu.memory_space<hbm>> -> memref<320xf32, #tpu.memory_space<hbm>>
      %dma_wait3A_22 = arith.constant 0 : i32
      %dma_wait3A_23 = tpu.memref_slice %arg4[%add3A, %dma_wait3A_22] : memref<16x320xf32, #tpu.memory_space<hbm>> -> memref<1x320xf32, #tpu.memory_space<hbm>>
      %dma_wait3A_24 = tpu.memref_squeeze %dma_wait3A_23 : memref<1x320xf32, #tpu.memory_space<hbm>> -> memref<320xf32, #tpu.memory_space<hbm>>
      tpu.wait_dma2 semaphore(%arg15 : memref<!tpu.dma_semaphore, #tpu.memory_space<semaphore_mem>>) src(%dma_wait3A_24 : memref<320xf32, #tpu.memory_space<hbm>>) dst(%arg9 : memref<320xf32, #tpu.memory_space<vmem>>)
      %get3A = arith.constant 0 : index
      %get3A_25 = tpu.vector_load %arg8[%get3A] {strides = array<i32>} : memref<320xf32, #tpu.memory_space<vmem>>, vector<16xf32>,
      %sub3A = arith.constant 1.000000e+00 : f32
      %sub3A_26 = vector.broadcast %sub3A : f32 to vector<16xf32>
      %sub3A_27 = arith.subf %sub3A_26, %get3A_25 : vector<16xf32>
      %get3A_28 = arith.constant 0 : index
      %get3A_29 = tpu.vector_load %arg7[%get3A_28] {strides = array<i32>} : memref<320xf32, #tpu.memory_space<vmem>>, vector<16xf32>,
      %mul3A_30 = arith.mulf %sub3A_27, %get3A_29 : vector<16xf32>
      %get3A_31 = arith.constant 16 : index
      %get3A_32 = tpu.vector_load %arg8[%get3A_31] {strides = array<i32>} : memref<320xf32, #tpu.memory_space<vmem>>, vector<16xf32>,
      %sub3A_33 = arith.constant 1.000000e+00 : f32
      %sub3A_34 = vector.broadcast %sub3A_33 : f32 to vector<16xf32>
      %sub3A_35 = arith.subf %sub3A_34, %get3A_32 : vector<16xf32>
      %get3A_36 = arith.constant 16 : index
      %get3A_37 = tpu.vector_load %arg7[%get3A_36] {strides = array<i32>} : memref<320xf32, #tpu.memory_space<vmem>>, vector<16xf32>,
      %mul3A_38 = arith.mulf %sub3A_35, %get3A_37 : vector<16xf32>
      %max3A = arith.maximumf %mul3A_30, %mul3A_38 : vector<16xf32>
      %get3A_39 = arith.constant 32 : index
      %get3A_40 = tpu.vector_load %arg8[%get3A_39] {strides = array<i32>} : memref<320xf32, #tpu.memory_space<vmem>>, vector<16xf32>,
      %sub3A_41 = arith.constant 1.000000e+00 : f32
      %sub3A_42 = vector.broadcast %sub3A_41 : f32 to vector<16xf32>
      %sub3A_43 = arith.subf %sub3A_42, %get3A_40 : vector<16xf32>
      %get3A_44 = arith.constant 32 : index
      %get3A_45 = tpu.vector_load %arg7[%get3A_44] {strides = array<i32>} : memref<320xf32, #tpu.memory_space<vmem>>, vector<16xf32>,
      %mul3A_46 = arith.mulf %sub3A_43, %get3A_45 : vector<16xf32>
      %max3A_47 = arith.maximumf %max3A, %mul3A_46 : vector<16xf32>
      %get3A_48 = arith.constant 48 : index
      %get3A_49 = tpu.vector_load %arg8[%get3A_48] {strides = array<i32>} : memref<320xf32, #tpu.memory_space<vmem>>, vector<16xf32>,
      %sub3A_50 = arith.constant 1.000000e+00 : f32
      %sub3A_51 = vector.broadcast %sub3A_50 : f32 to vector<16xf32>
      %sub3A_52 = arith.subf %sub3A_51, %get3A_49 : vector<16xf32>
      %get3A_53 = arith.constant 48 : index
      %get3A_54 = tpu.vector_load %arg7[%get3A_53] {strides = array<i32>} : memref<320xf32, #tpu.memory_space<vmem>>, vector<16xf32>,
      %mul3A_55 = arith.mulf %sub3A_52, %get3A_54 : vector<16xf32>
      %max3A_56 = arith.maximumf %max3A_47, %mul3A_55 : vector<16xf32>
      %get3A_57 = arith.constant 64 : index
      %get3A_58 = tpu.vector_load %arg8[%get3A_57] {strides = array<i32>} : memref<320xf32, #tpu.memory_space<vmem>>, vector<16xf32>,
      %sub3A_59 = arith.constant 1.000000e+00 : f32
      %sub3A_60 = vector.broadcast %sub3A_59 : f32 to vector<16xf32>
      %sub3A_61 = arith.subf %sub3A_60, %get3A_58 : vector<16xf32>
      %get3A_62 = arith.constant 64 : index
      %get3A_63 = tpu.vector_load %arg7[%get3A_62] {strides = array<i32>} : memref<320xf32, #tpu.memory_space<vmem>>, vector<16xf32>,
      %mul3A_64 = arith.mulf %sub3A_61, %get3A_63 : vector<16xf32>
      %max3A_65 = arith.maximumf %max3A_56, %mul3A_64 : vector<16xf32>
      %get3A_66 = arith.constant 80 : index
      %get3A_67 = tpu.vector_load %arg8[%get3A_66] {strides = array<i32>} : memref<320xf32, #tpu.memory_space<vmem>>, vector<16xf32>,
      %sub3A_68 = arith.constant 1.000000e+00 : f32
      %sub3A_69 = vector.broadcast %sub3A_68 : f32 to vector<16xf32>
      %sub3A_70 = arith.subf %sub3A_69, %get3A_67 : vector<16xf32>
      %get3A_71 = arith.constant 80 : index
      %get3A_72 = tpu.vector_load %arg7[%get3A_71] {strides = array<i32>} : memref<320xf32, #tpu.memory_space<vmem>>, vector<16xf32>,
      %mul3A_73 = arith.mulf %sub3A_70, %get3A_72 : vector<16xf32>
      %max3A_74 = arith.maximumf %max3A_65, %mul3A_73 : vector<16xf32>
      %get3A_75 = arith.constant 96 : index
      %get3A_76 = tpu.vector_load %arg8[%get3A_75] {strides = array<i32>} : memref<320xf32, #tpu.memory_space<vmem>>, vector<16xf32>,
      %sub3A_77 = arith.constant 1.000000e+00 : f32
      %sub3A_78 = vector.broadcast %sub3A_77 : f32 to vector<16xf32>
      %sub3A_79 = arith.subf %sub3A_78, %get3A_76 : vector<16xf32>
      %get3A_80 = arith.constant 96 : index
      %get3A_81 = tpu.vector_load %arg7[%get3A_80] {strides = array<i32>} : memref<320xf32, #tpu.memory_space<vmem>>, vector<16xf32>,
      %mul3A_82 = arith.mulf %sub3A_79, %get3A_81 : vector<16xf32>
      %max3A_83 = arith.maximumf %max3A_74, %mul3A_82 : vector<16xf32>
      %get3A_84 = arith.constant 112 : index
      %get3A_85 = tpu.vector_load %arg8[%get3A_84] {strides = array<i32>} : memref<320xf32, #tpu.memory_space<vmem>>, vector<16xf32>,
      %sub3A_86 = arith.constant 1.000000e+00 : f32
      %sub3A_87 = vector.broadcast %sub3A_86 : f32 to vector<16xf32>
      %sub3A_88 = arith.subf %sub3A_87, %get3A_85 : vector<16xf32>
      %get3A_89 = arith.constant 112 : index
      %get3A_90 = tpu.vector_load %arg7[%get3A_89] {strides = array<i32>} : memref<320xf32, #tpu.memory_space<vmem>>, vector<16xf32>,
      %mul3A_91 = arith.mulf %sub3A_88, %get3A_90 : vector<16xf32>
      %max3A_92 = arith.maximumf %max3A_83, %mul3A_91 : vector<16xf32>
      %get3A_93 = arith.constant 128 : index
      %get3A_94 = tpu.vector_load %arg8[%get3A_93] {strides = array<i32>} : memref<320xf32, #tpu.memory_space<vmem>>, vector<16xf32>,
      %sub3A_95 = arith.constant 1.000000e+00 : f32
      %sub3A_96 = vector.broadcast %sub3A_95 : f32 to vector<16xf32>
      %sub3A_97 = arith.subf %sub3A_96, %get3A_94 : vector<16xf32>
      %get3A_98 = arith.constant 128 : index
      %get3A_99 = tpu.vector_load %arg7[%get3A_98] {strides = array<i32>} : memref<320xf32, #tpu.memory_space<vmem>>, vector<16xf32>,
      %mul3A_100 = arith.mulf %sub3A_97, %get3A_99 : vector<16xf32>
      %max3A_101 = arith.maximumf %max3A_92, %mul3A_100 : vector<16xf32>
      %get3A_102 = arith.constant 144 : index
      %get3A_103 = tpu.vector_load %arg8[%get3A_102] {strides = array<i32>} : memref<320xf32, #tpu.memory_space<vmem>>, vector<16xf32>,
      %sub3A_104 = arith.constant 1.000000e+00 : f32
      %sub3A_105 = vector.broadcast %sub3A_104 : f32 to vector<16xf32>
      %sub3A_106 = arith.subf %sub3A_105, %get3A_103 : vector<16xf32>
      %get3A_107 = arith.constant 144 : index
      %get3A_108 = tpu.vector_load %arg7[%get3A_107] {strides = array<i32>} : memref<320xf32, #tpu.memory_space<vmem>>, vector<16xf32>,
      %mul3A_109 = arith.mulf %sub3A_106, %get3A_108 : vector<16xf32>
      %max3A_110 = arith.maximumf %max3A_101, %mul3A_109 : vector<16xf32>
      %get3A_111 = arith.constant 160 : index
      %get3A_112 = tpu.vector_load %arg8[%get3A_111] {strides = array<i32>} : memref<320xf32, #tpu.memory_space<vmem>>, vector<16xf32>,
      %sub3A_113 = arith.constant 1.000000e+00 : f32
      %sub3A_114 = vector.broadcast %sub3A_113 : f32 to vector<16xf32>
      %sub3A_115 = arith.subf %sub3A_114, %get3A_112 : vector<16xf32>
      %get3A_116 = arith.constant 160 : index
      %get3A_117 = tpu.vector_load %arg7[%get3A_116] {strides = array<i32>} : memref<320xf32, #tpu.memory_space<vmem>>, vector<16xf32>,
      %mul3A_118 = arith.mulf %sub3A_115, %get3A_117 : vector<16xf32>
      %max3A_119 = arith.maximumf %max3A_110, %mul3A_118 : vector<16xf32>
      %get3A_120 = arith.constant 176 : index
      %get3A_121 = tpu.vector_load %arg8[%get3A_120] {strides = array<i32>} : memref<320xf32, #tpu.memory_space<vmem>>, vector<16xf32>,
      %sub3A_122 = arith.constant 1.000000e+00 : f32
      %sub3A_123 = vector.broadcast %sub3A_122 : f32 to vector<16xf32>
      %sub3A_124 = arith.subf %sub3A_123, %get3A_121 : vector<16xf32>
      %get3A_125 = arith.constant 176 : index
      %get3A_126 = tpu.vector_load %arg7[%get3A_125] {strides = array<i32>} : memref<320xf32, #tpu.memory_space<vmem>>, vector<16xf32>,
      %mul3A_127 = arith.mulf %sub3A_124, %get3A_126 : vector<16xf32>
      %max3A_128 = arith.maximumf %max3A_119, %mul3A_127 : vector<16xf32>
      %get3A_129 = arith.constant 192 : index
      %get3A_130 = tpu.vector_load %arg8[%get3A_129] {strides = array<i32>} : memref<320xf32, #tpu.memory_space<vmem>>, vector<16xf32>,
      %sub3A_131 = arith.constant 1.000000e+00 : f32
      %sub3A_132 = vector.broadcast %sub3A_131 : f32 to vector<16xf32>
      %sub3A_133 = arith.subf %sub3A_132, %get3A_130 : vector<16xf32>
      %get3A_134 = arith.constant 192 : index
      %get3A_135 = tpu.vector_load %arg7[%get3A_134] {strides = array<i32>} : memref<320xf32, #tpu.memory_space<vmem>>, vector<16xf32>,
      %mul3A_136 = arith.mulf %sub3A_133, %get3A_135 : vector<16xf32>
      %max3A_137 = arith.maximumf %max3A_128, %mul3A_136 : vector<16xf32>
      %get3A_138 = arith.constant 208 : index
      %get3A_139 = tpu.vector_load %arg8[%get3A_138] {strides = array<i32>} : memref<320xf32, #tpu.memory_space<vmem>>, vector<16xf32>,
      %sub3A_140 = arith.constant 1.000000e+00 : f32
      %sub3A_141 = vector.broadcast %sub3A_140 : f32 to vector<16xf32>
      %sub3A_142 = arith.subf %sub3A_141, %get3A_139 : vector<16xf32>
      %get3A_143 = arith.constant 208 : index
      %get3A_144 = tpu.vector_load %arg7[%get3A_143] {strides = array<i32>} : memref<320xf32, #tpu.memory_space<vmem>>, vector<16xf32>,
      %mul3A_145 = arith.mulf %sub3A_142, %get3A_144 : vector<16xf32>
      %max3A_146 = arith.maximumf %max3A_137, %mul3A_145 : vector<16xf32>
      %get3A_147 = arith.constant 224 : index
      %get3A_148 = tpu.vector_load %arg8[%get3A_147] {strides = array<i32>} : memref<320xf32, #tpu.memory_space<vmem>>, vector<16xf32>,
      %sub3A_149 = arith.constant 1.000000e+00 : f32
      %sub3A_150 = vector.broadcast %sub3A_149 : f32 to vector<16xf32>
      %sub3A_151 = arith.subf %sub3A_150, %get3A_148 : vector<16xf32>
      %get3A_152 = arith.constant 224 : index
      %get3A_153 = tpu.vector_load %arg7[%get3A_152] {strides = array<i32>} : memref<320xf32, #tpu.memory_space<vmem>>, vector<16xf32>,
      %mul3A_154 = arith.mulf %sub3A_151, %get3A_153 : vector<16xf32>
      %max3A_155 = arith.maximumf %max3A_146, %mul3A_154 : vector<16xf32>
      %get3A_156 = arith.constant 240 : index
      %get3A_157 = tpu.vector_load %arg8[%get3A_156] {strides = array<i32>} : memref<320xf32, #tpu.memory_space<vmem>>, vector<16xf32>,
      %sub3A_158 = arith.constant 1.000000e+00 : f32
      %sub3A_159 = vector.broadcast %sub3A_158 : f32 to vector<16xf32>
      %sub3A_160 = arith.subf %sub3A_159, %get3A_157 : vector<16xf32>
      %get3A_161 = arith.constant 240 : index
      %get3A_162 = tpu.vector_load %arg7[%get3A_161] {strides = array<i32>} : memref<320xf32, #tpu.memory_space<vmem>>, vector<16xf32>,
      %mul3A_163 = arith.mulf %sub3A_160, %get3A_162 : vector<16xf32>
      %max3A_164 = arith.maximumf %max3A_155, %mul3A_163 : vector<16xf32>
      %get3A_165 = arith.constant 256 : index
      %get3A_166 = tpu.vector_load %arg8[%get3A_165] {strides = array<i32>} : memref<320xf32, #tpu.memory_space<vmem>>, vector<16xf32>,
      %sub3A_167 = arith.constant 1.000000e+00 : f32
      %sub3A_168 = vector.broadcast %sub3A_167 : f32 to vector<16xf32>
      %sub3A_169 = arith.subf %sub3A_168, %get3A_166 : vector<16xf32>
      %get3A_170 = arith.constant 256 : index
      %get3A_171 = tpu.vector_load %arg7[%get3A_170] {strides = array<i32>} : memref<320xf32, #tpu.memory_space<vmem>>, vector<16xf32>,
      %mul3A_172 = arith.mulf %sub3A_169, %get3A_171 : vector<16xf32>
      %max3A_173 = arith.maximumf %max3A_164, %mul3A_172 : vector<16xf32>
      %get3A_174 = arith.constant 272 : index
      %get3A_175 = tpu.vector_load %arg8[%get3A_174] {strides = array<i32>} : memref<320xf32, #tpu.memory_space<vmem>>, vector<16xf32>,
      %sub3A_176 = arith.constant 1.000000e+00 : f32
      %sub3A_177 = vector.broadcast %sub3A_176 : f32 to vector<16xf32>
      %sub3A_178 = arith.subf %sub3A_177, %get3A_175 : vector<16xf32>
      %get3A_179 = arith.constant 272 : index
      %get3A_180 = tpu.vector_load %arg7[%get3A_179] {strides = array<i32>} : memref<320xf32, #tpu.memory_space<vmem>>, vector<16xf32>,
      %mul3A_181 = arith.mulf %sub3A_178, %get3A_180 : vector<16xf32>
      %max3A_182 = arith.maximumf %max3A_173, %mul3A_181 : vector<16xf32>
      %get3A_183 = arith.constant 288 : index
      %get3A_184 = tpu.vector_load %arg8[%get3A_183] {strides = array<i32>} : memref<320xf32, #tpu.memory_space<vmem>>, vector<16xf32>,
      %sub3A_185 = arith.constant 1.000000e+00 : f32
      %sub3A_186 = vector.broadcast %sub3A_185 : f32 to vector<16xf32>
      %sub3A_187 = arith.subf %sub3A_186, %get3A_184 : vector<16xf32>
      %get3A_188 = arith.constant 288 : index
      %get3A_189 = tpu.vector_load %arg7[%get3A_188] {strides = array<i32>} : memref<320xf32, #tpu.memory_space<vmem>>, vector<16xf32>,
      %mul3A_190 = arith.mulf %sub3A_187, %get3A_189 : vector<16xf32>
      %max3A_191 = arith.maximumf %max3A_182, %mul3A_190 : vector<16xf32>
      %get3A_192 = arith.constant 304 : index
      %get3A_193 = tpu.vector_load %arg8[%get3A_192] {strides = array<i32>} : memref<320xf32, #tpu.memory_space<vmem>>, vector<16xf32>,
      %sub3A_194 = arith.constant 1.000000e+00 : f32
      %sub3A_195 = vector.broadcast %sub3A_194 : f32 to vector<16xf32>
      %sub3A_196 = arith.subf %sub3A_195, %get3A_193 : vector<16xf32>
      %get3A_197 = arith.constant 304 : index
      %get3A_198 = tpu.vector_load %arg7[%get3A_197] {strides = array<i32>} : memref<320xf32, #tpu.memory_space<vmem>>, vector<16xf32>,
      %mul3A_199 = arith.mulf %sub3A_196, %get3A_198 : vector<16xf32>
      %max3A_200 = arith.maximumf %max3A_191, %mul3A_199 : vector<16xf32>
      %iota3A = tpu.iota {dimensions = array<i32: 0>} : vector<16xi32>
      %swap3A = arith.constant 0 : index
      %swap3A_201 = tpu.vector_load %arg12[%swap3A] {strides = array<i32>} : memref<16xf32, #tpu.memory_space<vmem>>, vector<16xf32>,
      tpu.vector_store %arg12[%swap3A], %max3A_200 {strides = array<i32>} : memref<16xf32, #tpu.memory_space<vmem>>, vector<16xf32>,
      %xor3A = arith.constant 8 : i32
      %xor3A_202 = vector.broadcast %xor3A : i32 to vector<16xi32>
      %xor3A_203 = arith.xori %iota3A, %xor3A_202 : vector<16xi32>
      %gather3A = tpu.vector_load_idx %arg12[%xor3A_203] : memref<16xf32, #tpu.memory_space<vmem>>[vector<16xi32>], vector<16xf32>,
      %max3A_204 = arith.maximumf %max3A_200, %gather3A : vector<16xf32>
      %swap3A_205 = arith.constant 0 : index
      %swap3A_206 = tpu.vector_load %arg12[%swap3A_205] {strides = array<i32>} : memref<16xf32, #tpu.memory_space<vmem>>, vector<16xf32>,
      tpu.vector_store %arg12[%swap3A_205], %max3A_204 {strides = array<i32>} : memref<16xf32, #tpu.memory_space<vmem>>, vector<16xf32>,
      %xor3A_207 = arith.constant 4 : i32
      %xor3A_208 = vector.broadcast %xor3A_207 : i32 to vector<16xi32>
      %xor3A_209 = arith.xori %iota3A, %xor3A_208 : vector<16xi32>
      %gather3A_210 = tpu.vector_load_idx %arg12[%xor3A_209] : memref<16xf32, #tpu.memory_space<vmem>>[vector<16xi32>], vector<16xf32>,
      %max3A_211 = arith.maximumf %max3A_204, %gather3A_210 : vector<16xf32>
      %swap3A_212 = arith.constant 0 : index
      %swap3A_213 = tpu.vector_load %arg12[%swap3A_212] {strides = array<i32>} : memref<16xf32, #tpu.memory_space<vmem>>, vector<16xf32>,
      tpu.vector_store %arg12[%swap3A_212], %max3A_211 {strides = array<i32>} : memref<16xf32, #tpu.memory_space<vmem>>, vector<16xf32>,
      %xor3A_214 = arith.constant 2 : i32
      %xor3A_215 = vector.broadcast %xor3A_214 : i32 to vector<16xi32>
      %xor3A_216 = arith.xori %iota3A, %xor3A_215 : vector<16xi32>
      %gather3A_217 = tpu.vector_load_idx %arg12[%xor3A_216] : memref<16xf32, #tpu.memory_space<vmem>>[vector<16xi32>], vector<16xf32>,
      %max3A_218 = arith.maximumf %max3A_211, %gather3A_217 : vector<16xf32>
      %swap3A_219 = arith.constant 0 : index
      %swap3A_220 = tpu.vector_load %arg12[%swap3A_219] {strides = array<i32>} : memref<16xf32, #tpu.memory_space<vmem>>, vector<16xf32>,
      tpu.vector_store %arg12[%swap3A_219], %max3A_218 {strides = array<i32>} : memref<16xf32, #tpu.memory_space<vmem>>, vector<16xf32>,
      %xor3A_221 = arith.constant 1 : i32
      %xor3A_222 = vector.broadcast %xor3A_221 : i32 to vector<16xi32>
      %xor3A_223 = arith.xori %iota3A, %xor3A_222 : vector<16xi32>
      %gather3A_224 = tpu.vector_load_idx %arg12[%xor3A_223] : memref<16xf32, #tpu.memory_space<vmem>>[vector<16xi32>], vector<16xf32>,
      %max3A_225 = arith.maximumf %max3A_218, %gather3A_224 : vector<16xf32>
      %broadcast_in_dim3A = arith.constant 0.000000e+00 : f32
      %broadcast_in_dim3A_226 = vector.broadcast %broadcast_in_dim3A : f32 to vector<16xf32>
      %broadcast_in_dim3A_227 = arith.constant 0.000000e+00 : f32
      %broadcast_in_dim3A_228 = vector.broadcast %broadcast_in_dim3A_227 : f32 to vector<16xf32>
      %get3A_229 = arith.constant 0 : index
      %get3A_230 = tpu.vector_load %arg7[%get3A_229] {strides = array<i32>} : memref<320xf32, #tpu.memory_space<vmem>>, vector<16xf32>,
      %div3A = arith.divf %get3A_230, %max3A_225 : vector<16xf32>
      %get3A_231 = arith.constant 0 : index
      %get3A_232 = tpu.vector_load %arg8[%get3A_231] {strides = array<i32>} : memref<320xf32, #tpu.memory_space<vmem>>, vector<16xf32>,
      %sub3A_233 = arith.constant 1.000000e+00 : f32
      %sub3A_234 = vector.broadcast %sub3A_233 : f32 to vector<16xf32>
      %sub3A_235 = arith.subf %sub3A_234, %get3A_232 : vector<16xf32>
      %mul3A_236 = arith.mulf %div3A, %sub3A_235 : vector<16xf32>
      %eq3A = arith.constant 0.000000e+00 : f32
      %eq3A_237 = vector.broadcast %eq3A : f32 to vector<16xf32>
      %eq3A_238 = arith.cmpf oeq, %get3A_232, %eq3A_237 : vector<16xf32>
      %convert_element_type3A_239 = arith.extui %eq3A_238 : vector<16xi1> to vector<16xi32>
      %convert_element_type3A_240 = arith.sitofp %convert_element_type3A_239 : vector<16xi32> to vector<16xf32>
      %add3A_241 = arith.addf %broadcast_in_dim3A_226, %convert_element_type3A_240 : vector<16xf32>
      %mul3A_242 = arith.mulf %mul3A_236, %convert_element_type3A_240 : vector<16xf32>
      %add3A_243 = arith.addf %broadcast_in_dim3A_228, %mul3A_242 : vector<16xf32>
      %get3A_244 = arith.constant 16 : index
      %get3A_245 = tpu.vector_load %arg7[%get3A_244] {strides = array<i32>} : memref<320xf32, #tpu.memory_space<vmem>>, vector<16xf32>,
      %div3A_246 = arith.divf %get3A_245, %max3A_225 : vector<16xf32>
      %get3A_247 = arith.constant 16 : index
      %get3A_248 = tpu.vector_load %arg8[%get3A_247] {strides = array<i32>} : memref<320xf32, #tpu.memory_space<vmem>>, vector<16xf32>,
      %sub3A_249 = arith.constant 1.000000e+00 : f32
      %sub3A_250 = vector.broadcast %sub3A_249 : f32 to vector<16xf32>
      %sub3A_251 = arith.subf %sub3A_250, %get3A_248 : vector<16xf32>
      %mul3A_252 = arith.mulf %div3A_246, %sub3A_251 : vector<16xf32>
      %eq3A_253 = arith.constant 0.000000e+00 : f32
      %eq3A_254 = vector.broadcast %eq3A_253 : f32 to vector<16xf32>
      %eq3A_255 = arith.cmpf oeq, %get3A_248, %eq3A_254 : vector<16xf32>
      %convert_element_type3A_256 = arith.extui %eq3A_255 : vector<16xi1> to vector<16xi32>
      %convert_element_type3A_257 = arith.sitofp %convert_element_type3A_256 : vector<16xi32> to vector<16xf32>
      %add3A_258 = arith.addf %add3A_241, %convert_element_type3A_257 : vector<16xf32>
      %mul3A_259 = arith.mulf %mul3A_252, %convert_element_type3A_257 : vector<16xf32>
      %add3A_260 = arith.addf %add3A_243, %mul3A_259 : vector<16xf32>
      %get3A_261 = arith.constant 32 : index
      %get3A_262 = tpu.vector_load %arg7[%get3A_261] {strides = array<i32>} : memref<320xf32, #tpu.memory_space<vmem>>, vector<16xf32>,
      %div3A_263 = arith.divf %get3A_262, %max3A_225 : vector<16xf32>
      %get3A_264 = arith.constant 32 : index
      %get3A_265 = tpu.vector_load %arg8[%get3A_264] {strides = array<i32>} : memref<320xf32, #tpu.memory_space<vmem>>, vector<16xf32>,
      %sub3A_266 = arith.constant 1.000000e+00 : f32
      %sub3A_267 = vector.broadcast %sub3A_266 : f32 to vector<16xf32>
      %sub3A_268 = arith.subf %sub3A_267, %get3A_265 : vector<16xf32>
      %mul3A_269 = arith.mulf %div3A_263, %sub3A_268 : vector<16xf32>
      %eq3A_270 = arith.constant 0.000000e+00 : f32
      %eq3A_271 = vector.broadcast %eq3A_270 : f32 to vector<16xf32>
      %eq3A_272 = arith.cmpf oeq, %get3A_265, %eq3A_271 : vector<16xf32>
      %convert_element_type3A_273 = arith.extui %eq3A_272 : vector<16xi1> to vector<16xi32>
      %convert_element_type3A_274 = arith.sitofp %convert_element_type3A_273 : vector<16xi32> to vector<16xf32>
      %add3A_275 = arith.addf %add3A_258, %convert_element_type3A_274 : vector<16xf32>
      %mul3A_276 = arith.mulf %mul3A_269, %convert_element_type3A_274 : vector<16xf32>
      %add3A_277 = arith.addf %add3A_260, %mul3A_276 : vector<16xf32>
      %get3A_278 = arith.constant 48 : index
      %get3A_279 = tpu.vector_load %arg7[%get3A_278] {strides = array<i32>} : memref<320xf32, #tpu.memory_space<vmem>>, vector<16xf32>,
      %div3A_280 = arith.divf %get3A_279, %max3A_225 : vector<16xf32>
      %get3A_281 = arith.constant 48 : index
      %get3A_282 = tpu.vector_load %arg8[%get3A_281] {strides = array<i32>} : memref<320xf32, #tpu.memory_space<vmem>>, vector<16xf32>,
      %sub3A_283 = arith.constant 1.000000e+00 : f32
      %sub3A_284 = vector.broadcast %sub3A_283 : f32 to vector<16xf32>
      %sub3A_285 = arith.subf %sub3A_284, %get3A_282 : vector<16xf32>
      %mul3A_286 = arith.mulf %div3A_280, %sub3A_285 : vector<16xf32>
      %eq3A_287 = arith.constant 0.000000e+00 : f32
      %eq3A_288 = vector.broadcast %eq3A_287 : f32 to vector<16xf32>
      %eq3A_289 = arith.cmpf oeq, %get3A_282, %eq3A_288 : vector<16xf32>
      %convert_element_type3A_290 = arith.extui %eq3A_289 : vector<16xi1> to vector<16xi32>
      %convert_element_type3A_291 = arith.sitofp %convert_element_type3A_290 : vector<16xi32> to vector<16xf32>
      %add3A_292 = arith.addf %add3A_275, %convert_element_type3A_291 : vector<16xf32>
      %mul3A_293 = arith.mulf %mul3A_286, %convert_element_type3A_291 : vector<16xf32>
      %add3A_294 = arith.addf %add3A_277, %mul3A_293 : vector<16xf32>
      %get3A_295 = arith.constant 64 : index
      %get3A_296 = tpu.vector_load %arg7[%get3A_295] {strides = array<i32>} : memref<320xf32, #tpu.memory_space<vmem>>, vector<16xf32>,
      %div3A_297 = arith.divf %get3A_296, %max3A_225 : vector<16xf32>
      %get3A_298 = arith.constant 64 : index
      %get3A_299 = tpu.vector_load %arg8[%get3A_298] {strides = array<i32>} : memref<320xf32, #tpu.memory_space<vmem>>, vector<16xf32>,
      %sub3A_300 = arith.constant 1.000000e+00 : f32
      %sub3A_301 = vector.broadcast %sub3A_300 : f32 to vector<16xf32>
      %sub3A_302 = arith.subf %sub3A_301, %get3A_299 : vector<16xf32>
      %mul3A_303 = arith.mulf %div3A_297, %sub3A_302 : vector<16xf32>
      %eq3A_304 = arith.constant 0.000000e+00 : f32
      %eq3A_305 = vector.broadcast %eq3A_304 : f32 to vector<16xf32>
      %eq3A_306 = arith.cmpf oeq, %get3A_299, %eq3A_305 : vector<16xf32>
      %convert_element_type3A_307 = arith.extui %eq3A_306 : vector<16xi1> to vector<16xi32>
      %convert_element_type3A_308 = arith.sitofp %convert_element_type3A_307 : vector<16xi32> to vector<16xf32>
      %add3A_309 = arith.addf %add3A_292, %convert_element_type3A_308 : vector<16xf32>
      %mul3A_310 = arith.mulf %mul3A_303, %convert_element_type3A_308 : vector<16xf32>
      %add3A_311 = arith.addf %add3A_294, %mul3A_310 : vector<16xf32>
      %get3A_312 = arith.constant 80 : index
      %get3A_313 = tpu.vector_load %arg7[%get3A_312] {strides = array<i32>} : memref<320xf32, #tpu.memory_space<vmem>>, vector<16xf32>,
      %div3A_314 = arith.divf %get3A_313, %max3A_225 : vector<16xf32>
      %get3A_315 = arith.constant 80 : index
      %get3A_316 = tpu.vector_load %arg8[%get3A_315] {strides = array<i32>} : memref<320xf32, #tpu.memory_space<vmem>>, vector<16xf32>,
      %sub3A_317 = arith.constant 1.000000e+00 : f32
      %sub3A_318 = vector.broadcast %sub3A_317 : f32 to vector<16xf32>
      %sub3A_319 = arith.subf %sub3A_318, %get3A_316 : vector<16xf32>
      %mul3A_320 = arith.mulf %div3A_314, %sub3A_319 : vector<16xf32>
      %eq3A_321 = arith.constant 0.000000e+00 : f32
      %eq3A_322 = vector.broadcast %eq3A_321 : f32 to vector<16xf32>
      %eq3A_323 = arith.cmpf oeq, %get3A_316, %eq3A_322 : vector<16xf32>
      %convert_element_type3A_324 = arith.extui %eq3A_323 : vector<16xi1> to vector<16xi32>
      %convert_element_type3A_325 = arith.sitofp %convert_element_type3A_324 : vector<16xi32> to vector<16xf32>
      %add3A_326 = arith.addf %add3A_309, %convert_element_type3A_325 : vector<16xf32>
      %mul3A_327 = arith.mulf %mul3A_320, %convert_element_type3A_325 : vector<16xf32>
      %add3A_328 = arith.addf %add3A_311, %mul3A_327 : vector<16xf32>
      %get3A_329 = arith.constant 96 : index
      %get3A_330 = tpu.vector_load %arg7[%get3A_329] {strides = array<i32>} : memref<320xf32, #tpu.memory_space<vmem>>, vector<16xf32>,
      %div3A_331 = arith.divf %get3A_330, %max3A_225 : vector<16xf32>
      %get3A_332 = arith.constant 96 : index
      %get3A_333 = tpu.vector_load %arg8[%get3A_332] {strides = array<i32>} : memref<320xf32, #tpu.memory_space<vmem>>, vector<16xf32>,
      %sub3A_334 = arith.constant 1.000000e+00 : f32
      %sub3A_335 = vector.broadcast %sub3A_334 : f32 to vector<16xf32>
      %sub3A_336 = arith.subf %sub3A_335, %get3A_333 : vector<16xf32>
      %mul3A_337 = arith.mulf %div3A_331, %sub3A_336 : vector<16xf32>
      %eq3A_338 = arith.constant 0.000000e+00 : f32
      %eq3A_339 = vector.broadcast %eq3A_338 : f32 to vector<16xf32>
      %eq3A_340 = arith.cmpf oeq, %get3A_333, %eq3A_339 : vector<16xf32>
      %convert_element_type3A_341 = arith.extui %eq3A_340 : vector<16xi1> to vector<16xi32>
      %convert_element_type3A_342 = arith.sitofp %convert_element_type3A_341 : vector<16xi32> to vector<16xf32>
      %add3A_343 = arith.addf %add3A_326, %convert_element_type3A_342 : vector<16xf32>
      %mul3A_344 = arith.mulf %mul3A_337, %convert_element_type3A_342 : vector<16xf32>
      %add3A_345 = arith.addf %add3A_328, %mul3A_344 : vector<16xf32>
      %get3A_346 = arith.constant 112 : index
      %get3A_347 = tpu.vector_load %arg7[%get3A_346] {strides = array<i32>} : memref<320xf32, #tpu.memory_space<vmem>>, vector<16xf32>,
      %div3A_348 = arith.divf %get3A_347, %max3A_225 : vector<16xf32>
      %get3A_349 = arith.constant 112 : index
      %get3A_350 = tpu.vector_load %arg8[%get3A_349] {strides = array<i32>} : memref<320xf32, #tpu.memory_space<vmem>>, vector<16xf32>,
      %sub3A_351 = arith.constant 1.000000e+00 : f32
      %sub3A_352 = vector.broadcast %sub3A_351 : f32 to vector<16xf32>
      %sub3A_353 = arith.subf %sub3A_352, %get3A_350 : vector<16xf32>
      %mul3A_354 = arith.mulf %div3A_348, %sub3A_353 : vector<16xf32>
      %eq3A_355 = arith.constant 0.000000e+00 : f32
      %eq3A_356 = vector.broadcast %eq3A_355 : f32 to vector<16xf32>
      %eq3A_357 = arith.cmpf oeq, %get3A_350, %eq3A_356 : vector<16xf32>
      %convert_element_type3A_358 = arith.extui %eq3A_357 : vector<16xi1> to vector<16xi32>
      %convert_element_type3A_359 = arith.sitofp %convert_element_type3A_358 : vector<16xi32> to vector<16xf32>
      %add3A_360 = arith.addf %add3A_343, %convert_element_type3A_359 : vector<16xf32>
      %mul3A_361 = arith.mulf %mul3A_354, %convert_element_type3A_359 : vector<16xf32>
      %add3A_362 = arith.addf %add3A_345, %mul3A_361 : vector<16xf32>
      %get3A_363 = arith.constant 128 : index
      %get3A_364 = tpu.vector_load %arg7[%get3A_363] {strides = array<i32>} : memref<320xf32, #tpu.memory_space<vmem>>, vector<16xf32>,
      %div3A_365 = arith.divf %get3A_364, %max3A_225 : vector<16xf32>
      %get3A_366 = arith.constant 128 : index
      %get3A_367 = tpu.vector_load %arg8[%get3A_366] {strides = array<i32>} : memref<320xf32, #tpu.memory_space<vmem>>, vector<16xf32>,
      %sub3A_368 = arith.constant 1.000000e+00 : f32
      %sub3A_369 = vector.broadcast %sub3A_368 : f32 to vector<16xf32>
      %sub3A_370 = arith.subf %sub3A_369, %get3A_367 : vector<16xf32>
      %mul3A_371 = arith.mulf %div3A_365, %sub3A_370 : vector<16xf32>
      %eq3A_372 = arith.constant 0.000000e+00 : f32
      %eq3A_373 = vector.broadcast %eq3A_372 : f32 to vector<16xf32>
      %eq3A_374 = arith.cmpf oeq, %get3A_367, %eq3A_373 : vector<16xf32>
      %convert_element_type3A_375 = arith.extui %eq3A_374 : vector<16xi1> to vector<16xi32>
      %convert_element_type3A_376 = arith.sitofp %convert_element_type3A_375 : vector<16xi32> to vector<16xf32>
      %add3A_377 = arith.addf %add3A_360, %convert_element_type3A_376 : vector<16xf32>
      %mul3A_378 = arith.mulf %mul3A_371, %convert_element_type3A_376 : vector<16xf32>
      %add3A_379 = arith.addf %add3A_362, %mul3A_378 : vector<16xf32>
      %get3A_380 = arith.constant 144 : index
      %get3A_381 = tpu.vector_load %arg7[%get3A_380] {strides = array<i32>} : memref<320xf32, #tpu.memory_space<vmem>>, vector<16xf32>,
      %div3A_382 = arith.divf %get3A_381, %max3A_225 : vector<16xf32>
      %get3A_383 = arith.constant 144 : index
      %get3A_384 = tpu.vector_load %arg8[%get3A_383] {strides = array<i32>} : memref<320xf32, #tpu.memory_space<vmem>>, vector<16xf32>,
      %sub3A_385 = arith.constant 1.000000e+00 : f32
      %sub3A_386 = vector.broadcast %sub3A_385 : f32 to vector<16xf32>
      %sub3A_387 = arith.subf %sub3A_386, %get3A_384 : vector<16xf32>
      %mul3A_388 = arith.mulf %div3A_382, %sub3A_387 : vector<16xf32>
      %eq3A_389 = arith.constant 0.000000e+00 : f32
      %eq3A_390 = vector.broadcast %eq3A_389 : f32 to vector<16xf32>
      %eq3A_391 = arith.cmpf oeq, %get3A_384, %eq3A_390 : vector<16xf32>
      %convert_element_type3A_392 = arith.extui %eq3A_391 : vector<16xi1> to vector<16xi32>
      %convert_element_type3A_393 = arith.sitofp %convert_element_type3A_392 : vector<16xi32> to vector<16xf32>
      %add3A_394 = arith.addf %add3A_377, %convert_element_type3A_393 : vector<16xf32>
      %mul3A_395 = arith.mulf %mul3A_388, %convert_element_type3A_393 : vector<16xf32>
      %add3A_396 = arith.addf %add3A_379, %mul3A_395 : vector<16xf32>
      %get3A_397 = arith.constant 160 : index
      %get3A_398 = tpu.vector_load %arg7[%get3A_397] {strides = array<i32>} : memref<320xf32, #tpu.memory_space<vmem>>, vector<16xf32>,
      %div3A_399 = arith.divf %get3A_398, %max3A_225 : vector<16xf32>
      %get3A_400 = arith.constant 160 : index
      %get3A_401 = tpu.vector_load %arg8[%get3A_400] {strides = array<i32>} : memref<320xf32, #tpu.memory_space<vmem>>, vector<16xf32>,
      %sub3A_402 = arith.constant 1.000000e+00 : f32
      %sub3A_403 = vector.broadcast %sub3A_402 : f32 to vector<16xf32>
      %sub3A_404 = arith.subf %sub3A_403, %get3A_401 : vector<16xf32>
      %mul3A_405 = arith.mulf %div3A_399, %sub3A_404 : vector<16xf32>
      %eq3A_406 = arith.constant 0.000000e+00 : f32
      %eq3A_407 = vector.broadcast %eq3A_406 : f32 to vector<16xf32>
      %eq3A_408 = arith.cmpf oeq, %get3A_401, %eq3A_407 : vector<16xf32>
      %convert_element_type3A_409 = arith.extui %eq3A_408 : vector<16xi1> to vector<16xi32>
      %convert_element_type3A_410 = arith.sitofp %convert_element_type3A_409 : vector<16xi32> to vector<16xf32>
      %add3A_411 = arith.addf %add3A_394, %convert_element_type3A_410 : vector<16xf32>
      %mul3A_412 = arith.mulf %mul3A_405, %convert_element_type3A_410 : vector<16xf32>
      %add3A_413 = arith.addf %add3A_396, %mul3A_412 : vector<16xf32>
      %get3A_414 = arith.constant 176 : index
      %get3A_415 = tpu.vector_load %arg7[%get3A_414] {strides = array<i32>} : memref<320xf32, #tpu.memory_space<vmem>>, vector<16xf32>,
      %div3A_416 = arith.divf %get3A_415, %max3A_225 : vector<16xf32>
      %get3A_417 = arith.constant 176 : index
      %get3A_418 = tpu.vector_load %arg8[%get3A_417] {strides = array<i32>} : memref<320xf32, #tpu.memory_space<vmem>>, vector<16xf32>,
      %sub3A_419 = arith.constant 1.000000e+00 : f32
      %sub3A_420 = vector.broadcast %sub3A_419 : f32 to vector<16xf32>
      %sub3A_421 = arith.subf %sub3A_420, %get3A_418 : vector<16xf32>
      %mul3A_422 = arith.mulf %div3A_416, %sub3A_421 : vector<16xf32>
      %eq3A_423 = arith.constant 0.000000e+00 : f32
      %eq3A_424 = vector.broadcast %eq3A_423 : f32 to vector<16xf32>
      %eq3A_425 = arith.cmpf oeq, %get3A_418, %eq3A_424 : vector<16xf32>
      %convert_element_type3A_426 = arith.extui %eq3A_425 : vector<16xi1> to vector<16xi32>
      %convert_element_type3A_427 = arith.sitofp %convert_element_type3A_426 : vector<16xi32> to vector<16xf32>
      %add3A_428 = arith.addf %add3A_411, %convert_element_type3A_427 : vector<16xf32>
      %mul3A_429 = arith.mulf %mul3A_422, %convert_element_type3A_427 : vector<16xf32>
      %add3A_430 = arith.addf %add3A_413, %mul3A_429 : vector<16xf32>
      %get3A_431 = arith.constant 192 : index
      %get3A_432 = tpu.vector_load %arg7[%get3A_431] {strides = array<i32>} : memref<320xf32, #tpu.memory_space<vmem>>, vector<16xf32>,
      %div3A_433 = arith.divf %get3A_432, %max3A_225 : vector<16xf32>
      %get3A_434 = arith.constant 192 : index
      %get3A_435 = tpu.vector_load %arg8[%get3A_434] {strides = array<i32>} : memref<320xf32, #tpu.memory_space<vmem>>, vector<16xf32>,
      %sub3A_436 = arith.constant 1.000000e+00 : f32
      %sub3A_437 = vector.broadcast %sub3A_436 : f32 to vector<16xf32>
      %sub3A_438 = arith.subf %sub3A_437, %get3A_435 : vector<16xf32>
      %mul3A_439 = arith.mulf %div3A_433, %sub3A_438 : vector<16xf32>
      %eq3A_440 = arith.constant 0.000000e+00 : f32
      %eq3A_441 = vector.broadcast %eq3A_440 : f32 to vector<16xf32>
      %eq3A_442 = arith.cmpf oeq, %get3A_435, %eq3A_441 : vector<16xf32>
      %convert_element_type3A_443 = arith.extui %eq3A_442 : vector<16xi1> to vector<16xi32>
      %convert_element_type3A_444 = arith.sitofp %convert_element_type3A_443 : vector<16xi32> to vector<16xf32>
      %add3A_445 = arith.addf %add3A_428, %convert_element_type3A_444 : vector<16xf32>
      %mul3A_446 = arith.mulf %mul3A_439, %convert_element_type3A_444 : vector<16xf32>
      %add3A_447 = arith.addf %add3A_430, %mul3A_446 : vector<16xf32>
      %get3A_448 = arith.constant 208 : index
      %get3A_449 = tpu.vector_load %arg7[%get3A_448] {strides = array<i32>} : memref<320xf32, #tpu.memory_space<vmem>>, vector<16xf32>,
      %div3A_450 = arith.divf %get3A_449, %max3A_225 : vector<16xf32>
      %get3A_451 = arith.constant 208 : index
      %get3A_452 = tpu.vector_load %arg8[%get3A_451] {strides = array<i32>} : memref<320xf32, #tpu.memory_space<vmem>>, vector<16xf32>,
      %sub3A_453 = arith.constant 1.000000e+00 : f32
      %sub3A_454 = vector.broadcast %sub3A_453 : f32 to vector<16xf32>
      %sub3A_455 = arith.subf %sub3A_454, %get3A_452 : vector<16xf32>
      %mul3A_456 = arith.mulf %div3A_450, %sub3A_455 : vector<16xf32>
      %eq3A_457 = arith.constant 0.000000e+00 : f32
      %eq3A_458 = vector.broadcast %eq3A_457 : f32 to vector<16xf32>
      %eq3A_459 = arith.cmpf oeq, %get3A_452, %eq3A_458 : vector<16xf32>
      %convert_element_type3A_460 = arith.extui %eq3A_459 : vector<16xi1> to vector<16xi32>
      %convert_element_type3A_461 = arith.sitofp %convert_element_type3A_460 : vector<16xi32> to vector<16xf32>
      %add3A_462 = arith.addf %add3A_445, %convert_element_type3A_461 : vector<16xf32>
      %mul3A_463 = arith.mulf %mul3A_456, %convert_element_type3A_461 : vector<16xf32>
      %add3A_464 = arith.addf %add3A_447, %mul3A_463 : vector<16xf32>
      %get3A_465 = arith.constant 224 : index
      %get3A_466 = tpu.vector_load %arg7[%get3A_465] {strides = array<i32>} : memref<320xf32, #tpu.memory_space<vmem>>, vector<16xf32>,
      %div3A_467 = arith.divf %get3A_466, %max3A_225 : vector<16xf32>
      %get3A_468 = arith.constant 224 : index
      %get3A_469 = tpu.vector_load %arg8[%get3A_468] {strides = array<i32>} : memref<320xf32, #tpu.memory_space<vmem>>, vector<16xf32>,
      %sub3A_470 = arith.constant 1.000000e+00 : f32
      %sub3A_471 = vector.broadcast %sub3A_470 : f32 to vector<16xf32>
      %sub3A_472 = arith.subf %sub3A_471, %get3A_469 : vector<16xf32>
      %mul3A_473 = arith.mulf %div3A_467, %sub3A_472 : vector<16xf32>
      %eq3A_474 = arith.constant 0.000000e+00 : f32
      %eq3A_475 = vector.broadcast %eq3A_474 : f32 to vector<16xf32>
      %eq3A_476 = arith.cmpf oeq, %get3A_469, %eq3A_475 : vector<16xf32>
      %convert_element_type3A_477 = arith.extui %eq3A_476 : vector<16xi1> to vector<16xi32>
      %convert_element_type3A_478 = arith.sitofp %convert_element_type3A_477 : vector<16xi32> to vector<16xf32>
      %add3A_479 = arith.addf %add3A_462, %convert_element_type3A_478 : vector<16xf32>
      %mul3A_480 = arith.mulf %mul3A_473, %convert_element_type3A_478 : vector<16xf32>
      %add3A_481 = arith.addf %add3A_464, %mul3A_480 : vector<16xf32>
      %get3A_482 = arith.constant 240 : index
      %get3A_483 = tpu.vector_load %arg7[%get3A_482] {strides = array<i32>} : memref<320xf32, #tpu.memory_space<vmem>>, vector<16xf32>,
      %div3A_484 = arith.divf %get3A_483, %max3A_225 : vector<16xf32>
      %get3A_485 = arith.constant 240 : index
      %get3A_486 = tpu.vector_load %arg8[%get3A_485] {strides = array<i32>} : memref<320xf32, #tpu.memory_space<vmem>>, vector<16xf32>,
      %sub3A_487 = arith.constant 1.000000e+00 : f32
      %sub3A_488 = vector.broadcast %sub3A_487 : f32 to vector<16xf32>
      %sub3A_489 = arith.subf %sub3A_488, %get3A_486 : vector<16xf32>
      %mul3A_490 = arith.mulf %div3A_484, %sub3A_489 : vector<16xf32>
      %eq3A_491 = arith.constant 0.000000e+00 : f32
      %eq3A_492 = vector.broadcast %eq3A_491 : f32 to vector<16xf32>
      %eq3A_493 = arith.cmpf oeq, %get3A_486, %eq3A_492 : vector<16xf32>
      %convert_element_type3A_494 = arith.extui %eq3A_493 : vector<16xi1> to vector<16xi32>
      %convert_element_type3A_495 = arith.sitofp %convert_element_type3A_494 : vector<16xi32> to vector<16xf32>
      %add3A_496 = arith.addf %add3A_479, %convert_element_type3A_495 : vector<16xf32>
      %mul3A_497 = arith.mulf %mul3A_490, %convert_element_type3A_495 : vector<16xf32>
      %add3A_498 = arith.addf %add3A_481, %mul3A_497 : vector<16xf32>
      %get3A_499 = arith.constant 256 : index
      %get3A_500 = tpu.vector_load %arg7[%get3A_499] {strides = array<i32>} : memref<320xf32, #tpu.memory_space<vmem>>, vector<16xf32>,
      %div3A_501 = arith.divf %get3A_500, %max3A_225 : vector<16xf32>
      %get3A_502 = arith.constant 256 : index
      %get3A_503 = tpu.vector_load %arg8[%get3A_502] {strides = array<i32>} : memref<320xf32, #tpu.memory_space<vmem>>, vector<16xf32>,
      %sub3A_504 = arith.constant 1.000000e+00 : f32
      %sub3A_505 = vector.broadcast %sub3A_504 : f32 to vector<16xf32>
      %sub3A_506 = arith.subf %sub3A_505, %get3A_503 : vector<16xf32>
      %mul3A_507 = arith.mulf %div3A_501, %sub3A_506 : vector<16xf32>
      %eq3A_508 = arith.constant 0.000000e+00 : f32
      %eq3A_509 = vector.broadcast %eq3A_508 : f32 to vector<16xf32>
      %eq3A_510 = arith.cmpf oeq, %get3A_503, %eq3A_509 : vector<16xf32>
      %convert_element_type3A_511 = arith.extui %eq3A_510 : vector<16xi1> to vector<16xi32>
      %convert_element_type3A_512 = arith.sitofp %convert_element_type3A_511 : vector<16xi32> to vector<16xf32>
      %add3A_513 = arith.addf %add3A_496, %convert_element_type3A_512 : vector<16xf32>
      %mul3A_514 = arith.mulf %mul3A_507, %convert_element_type3A_512 : vector<16xf32>
      %add3A_515 = arith.addf %add3A_498, %mul3A_514 : vector<16xf32>
      %get3A_516 = arith.constant 272 : index
      %get3A_517 = tpu.vector_load %arg7[%get3A_516] {strides = array<i32>} : memref<320xf32, #tpu.memory_space<vmem>>, vector<16xf32>,
      %div3A_518 = arith.divf %get3A_517, %max3A_225 : vector<16xf32>
      %get3A_519 = arith.constant 272 : index
      %get3A_520 = tpu.vector_load %arg8[%get3A_519] {strides = array<i32>} : memref<320xf32, #tpu.memory_space<vmem>>, vector<16xf32>,
      %sub3A_521 = arith.constant 1.000000e+00 : f32
      %sub3A_522 = vector.broadcast %sub3A_521 : f32 to vector<16xf32>
      %sub3A_523 = arith.subf %sub3A_522, %get3A_520 : vector<16xf32>
      %mul3A_524 = arith.mulf %div3A_518, %sub3A_523 : vector<16xf32>
      %eq3A_525 = arith.constant 0.000000e+00 : f32
      %eq3A_526 = vector.broadcast %eq3A_525 : f32 to vector<16xf32>
      %eq3A_527 = arith.cmpf oeq, %get3A_520, %eq3A_526 : vector<16xf32>
      %convert_element_type3A_528 = arith.extui %eq3A_527 : vector<16xi1> to vector<16xi32>
      %convert_element_type3A_529 = arith.sitofp %convert_element_type3A_528 : vector<16xi32> to vector<16xf32>
      %add3A_530 = arith.addf %add3A_513, %convert_element_type3A_529 : vector<16xf32>
      %mul3A_531 = arith.mulf %mul3A_524, %convert_element_type3A_529 : vector<16xf32>
      %add3A_532 = arith.addf %add3A_515, %mul3A_531 : vector<16xf32>
      %get3A_533 = arith.constant 288 : index
      %get3A_534 = tpu.vector_load %arg7[%get3A_533] {strides = array<i32>} : memref<320xf32, #tpu.memory_space<vmem>>, vector<16xf32>,
      %div3A_535 = arith.divf %get3A_534, %max3A_225 : vector<16xf32>
      %get3A_536 = arith.constant 288 : index
      %get3A_537 = tpu.vector_load %arg8[%get3A_536] {strides = array<i32>} : memref<320xf32, #tpu.memory_space<vmem>>, vector<16xf32>,
      %sub3A_538 = arith.constant 1.000000e+00 : f32
      %sub3A_539 = vector.broadcast %sub3A_538 : f32 to vector<16xf32>
      %sub3A_540 = arith.subf %sub3A_539, %get3A_537 : vector<16xf32>
      %mul3A_541 = arith.mulf %div3A_535, %sub3A_540 : vector<16xf32>
      %eq3A_542 = arith.constant 0.000000e+00 : f32
      %eq3A_543 = vector.broadcast %eq3A_542 : f32 to vector<16xf32>
      %eq3A_544 = arith.cmpf oeq, %get3A_537, %eq3A_543 : vector<16xf32>
      %convert_element_type3A_545 = arith.extui %eq3A_544 : vector<16xi1> to vector<16xi32>
      %convert_element_type3A_546 = arith.sitofp %convert_element_type3A_545 : vector<16xi32> to vector<16xf32>
      %add3A_547 = arith.addf %add3A_530, %convert_element_type3A_546 : vector<16xf32>
      %mul3A_548 = arith.mulf %mul3A_541, %convert_element_type3A_546 : vector<16xf32>
      %add3A_549 = arith.addf %add3A_532, %mul3A_548 : vector<16xf32>
      %get3A_550 = arith.constant 304 : index
      %get3A_551 = tpu.vector_load %arg7[%get3A_550] {strides = array<i32>} : memref<320xf32, #tpu.memory_space<vmem>>, vector<16xf32>,
      %div3A_552 = arith.divf %get3A_551, %max3A_225 : vector<16xf32>
      %get3A_553 = arith.constant 304 : index
      %get3A_554 = tpu.vector_load %arg8[%get3A_553] {strides = array<i32>} : memref<320xf32, #tpu.memory_space<vmem>>, vector<16xf32>,
      %sub3A_555 = arith.constant 1.000000e+00 : f32
      %sub3A_556 = vector.broadcast %sub3A_555 : f32 to vector<16xf32>
      %sub3A_557 = arith.subf %sub3A_556, %get3A_554 : vector<16xf32>
      %mul3A_558 = arith.mulf %div3A_552, %sub3A_557 : vector<16xf32>
      %eq3A_559 = arith.constant 0.000000e+00 : f32
      %eq3A_560 = vector.broadcast %eq3A_559 : f32 to vector<16xf32>
      %eq3A_561 = arith.cmpf oeq, %get3A_554, %eq3A_560 : vector<16xf32>
      %convert_element_type3A_562 = arith.extui %eq3A_561 : vector<16xi1> to vector<16xi32>
      %convert_element_type3A_563 = arith.sitofp %convert_element_type3A_562 : vector<16xi32> to vector<16xf32>
      %add3A_564 = arith.addf %add3A_547, %convert_element_type3A_563 : vector<16xf32>
      %mul3A_565 = arith.mulf %mul3A_558, %convert_element_type3A_563 : vector<16xf32>
      %add3A_566 = arith.addf %add3A_549, %mul3A_565 : vector<16xf32>
      %iota3A_567 = tpu.iota {dimensions = array<i32: 0>} : vector<16xi32>
      %swap3A_568 = arith.constant 0 : index
      %swap3A_569 = tpu.vector_load %arg12[%swap3A_568] {strides = array<i32>} : memref<16xf32, #tpu.memory_space<vmem>>, vector<16xf32>,
      tpu.vector_store %arg12[%swap3A_568], %add3A_564 {strides = array<i32>} : memref<16xf32, #tpu.memory_space<vmem>>, vector<16xf32>,
      %xor3A_570 = arith.constant 8 : i32
      %xor3A_571 = vector.broadcast %xor3A_570 : i32 to vector<16xi32>
      %xor3A_572 = arith.xori %iota3A_567, %xor3A_571 : vector<16xi32>
      %gather3A_573 = tpu.vector_load_idx %arg12[%xor3A_572] : memref<16xf32, #tpu.memory_space<vmem>>[vector<16xi32>], vector<16xf32>,
      %add3A_574 = arith.addf %add3A_564, %gather3A_573 : vector<16xf32>
      %swap3A_575 = arith.constant 0 : index
      %swap3A_576 = tpu.vector_load %arg12[%swap3A_575] {strides = array<i32>} : memref<16xf32, #tpu.memory_space<vmem>>, vector<16xf32>,
      tpu.vector_store %arg12[%swap3A_575], %add3A_574 {strides = array<i32>} : memref<16xf32, #tpu.memory_space<vmem>>, vector<16xf32>,
      %xor3A_577 = arith.constant 4 : i32
      %xor3A_578 = vector.broadcast %xor3A_577 : i32 to vector<16xi32>
      %xor3A_579 = arith.xori %iota3A_567, %xor3A_578 : vector<16xi32>
      %gather3A_580 = tpu.vector_load_idx %arg12[%xor3A_579] : memref<16xf32, #tpu.memory_space<vmem>>[vector<16xi32>], vector<16xf32>,
      %add3A_581 = arith.addf %add3A_574, %gather3A_580 : vector<16xf32>
      %swap3A_582 = arith.constant 0 : index
      %swap3A_583 = tpu.vector_load %arg12[%swap3A_582] {strides = array<i32>} : memref<16xf32, #tpu.memory_space<vmem>>, vector<16xf32>,
      tpu.vector_store %arg12[%swap3A_582], %add3A_581 {strides = array<i32>} : memref<16xf32, #tpu.memory_space<vmem>>, vector<16xf32>,
      %xor3A_584 = arith.constant 2 : i32
      %xor3A_585 = vector.broadcast %xor3A_584 : i32 to vector<16xi32>
      %xor3A_586 = arith.xori %iota3A_567, %xor3A_585 : vector<16xi32>
      %gather3A_587 = tpu.vector_load_idx %arg12[%xor3A_586] : memref<16xf32, #tpu.memory_space<vmem>>[vector<16xi32>], vector<16xf32>,
      %add3A_588 = arith.addf %add3A_581, %gather3A_587 : vector<16xf32>
      %swap3A_589 = arith.constant 0 : index
      %swap3A_590 = tpu.vector_load %arg12[%swap3A_589] {strides = array<i32>} : memref<16xf32, #tpu.memory_space<vmem>>, vector<16xf32>,
      tpu.vector_store %arg12[%swap3A_589], %add3A_588 {strides = array<i32>} : memref<16xf32, #tpu.memory_space<vmem>>, vector<16xf32>,
      %xor3A_591 = arith.constant 1 : i32
      %xor3A_592 = vector.broadcast %xor3A_591 : i32 to vector<16xi32>
      %xor3A_593 = arith.xori %iota3A_567, %xor3A_592 : vector<16xi32>
      %gather3A_594 = tpu.vector_load_idx %arg12[%xor3A_593] : memref<16xf32, #tpu.memory_space<vmem>>[vector<16xi32>], vector<16xf32>,
      %add3A_595 = arith.addf %add3A_588, %gather3A_594 : vector<16xf32>
      %iota3A_596 = tpu.iota {dimensions = array<i32: 0>} : vector<16xi32>
      %swap3A_597 = arith.constant 0 : index
      %swap3A_598 = tpu.vector_load %arg12[%swap3A_597] {strides = array<i32>} : memref<16xf32, #tpu.memory_space<vmem>>, vector<16xf32>,
      tpu.vector_store %arg12[%swap3A_597], %add3A_566 {strides = array<i32>} : memref<16xf32, #tpu.memory_space<vmem>>, vector<16xf32>,
      %xor3A_599 = arith.constant 8 : i32
      %xor3A_600 = vector.broadcast %xor3A_599 : i32 to vector<16xi32>
      %xor3A_601 = arith.xori %iota3A_596, %xor3A_600 : vector<16xi32>
      %gather3A_602 = tpu.vector_load_idx %arg12[%xor3A_601] : memref<16xf32, #tpu.memory_space<vmem>>[vector<16xi32>], vector<16xf32>,
      %add3A_603 = arith.addf %add3A_566, %gather3A_602 : vector<16xf32>
      %swap3A_604 = arith.constant 0 : index
      %swap3A_605 = tpu.vector_load %arg12[%swap3A_604] {strides = array<i32>} : memref<16xf32, #tpu.memory_space<vmem>>, vector<16xf32>,
      tpu.vector_store %arg12[%swap3A_604], %add3A_603 {strides = array<i32>} : memref<16xf32, #tpu.memory_space<vmem>>, vector<16xf32>,
      %xor3A_606 = arith.constant 4 : i32
      %xor3A_607 = vector.broadcast %xor3A_606 : i32 to vector<16xi32>
      %xor3A_608 = arith.xori %iota3A_596, %xor3A_607 : vector<16xi32>
      %gather3A_609 = tpu.vector_load_idx %arg12[%xor3A_608] : memref<16xf32, #tpu.memory_space<vmem>>[vector<16xi32>], vector<16xf32>,
      %add3A_610 = arith.addf %add3A_603, %gather3A_609 : vector<16xf32>
      %swap3A_611 = arith.constant 0 : index
      %swap3A_612 = tpu.vector_load %arg12[%swap3A_611] {strides = array<i32>} : memref<16xf32, #tpu.memory_space<vmem>>, vector<16xf32>,
      tpu.vector_store %arg12[%swap3A_611], %add3A_610 {strides = array<i32>} : memref<16xf32, #tpu.memory_space<vmem>>, vector<16xf32>,
      %xor3A_613 = arith.constant 2 : i32
      %xor3A_614 = vector.broadcast %xor3A_613 : i32 to vector<16xi32>
      %xor3A_615 = arith.xori %iota3A_596, %xor3A_614 : vector<16xi32>
      %gather3A_616 = tpu.vector_load_idx %arg12[%xor3A_615] : memref<16xf32, #tpu.memory_space<vmem>>[vector<16xi32>], vector<16xf32>,
      %add3A_617 = arith.addf %add3A_610, %gather3A_616 : vector<16xf32>
      %swap3A_618 = arith.constant 0 : index
      %swap3A_619 = tpu.vector_load %arg12[%swap3A_618] {strides = array<i32>} : memref<16xf32, #tpu.memory_space<vmem>>, vector<16xf32>,
      tpu.vector_store %arg12[%swap3A_618], %add3A_617 {strides = array<i32>} : memref<16xf32, #tpu.memory_space<vmem>>, vector<16xf32>,
      %xor3A_620 = arith.constant 1 : i32
      %xor3A_621 = vector.broadcast %xor3A_620 : i32 to vector<16xi32>
      %xor3A_622 = arith.xori %iota3A_596, %xor3A_621 : vector<16xi32>
      %gather3A_623 = tpu.vector_load_idx %arg12[%xor3A_622] : memref<16xf32, #tpu.memory_space<vmem>>[vector<16xi32>], vector<16xf32>,
      %add3A_624 = arith.addf %add3A_617, %gather3A_623 : vector<16xf32>
      %div3A_625 = arith.divf %add3A_624, %add3A_595 : vector<16xf32>
      %div3A_626 = arith.constant 4.800000e+01 : f32
      %div3A_627 = vector.broadcast %div3A_626 : f32 to vector<16xf32>
      %div3A_628 = arith.divf %div3A_627, %add3A_595 : vector<16xf32>
      %div3A_629 = arith.divf %div3A_628, %div3A_625 : vector<16xf32>
      %sub3A_630 = arith.constant 1.000000e+00 : f32
      %sub3A_631 = vector.broadcast %sub3A_630 : f32 to vector<16xf32>
      %sub3A_632 = arith.subf %sub3A_631, %div3A_628 : vector<16xf32>
      %sub3A_633 = arith.constant 1.000000e+00 : f32
      %sub3A_634 = vector.broadcast %sub3A_633 : f32 to vector<16xf32>
      %sub3A_635 = arith.subf %sub3A_634, %div3A_625 : vector<16xf32>
      %div3A_636 = arith.divf %sub3A_632, %sub3A_635 : vector<16xf32>
      %le3A = arith.constant 1.000000e+00 : f32
      %le3A_637 = vector.broadcast %le3A : f32 to vector<16xf32>
      %le3A_638 = arith.cmpf ole, %div3A_629, %le3A_637 : vector<16xf32>
      %convert_element_type3A_639 = arith.extui %le3A_638 : vector<16xi1> to vector<16xi32>
      %convert_element_type3A_640 = arith.sitofp %convert_element_type3A_639 : vector<16xi32> to vector<16xf32>
      %get3A_641 = arith.constant 0 : index
      %get3A_642 = tpu.vector_load %arg7[%get3A_641] {strides = array<i32>} : memref<320xf32, #tpu.memory_space<vmem>>, vector<16xf32>,
      %div3A_643 = arith.divf %get3A_642, %max3A_225 : vector<16xf32>
      %get3A_644 = arith.constant 0 : index
      %get3A_645 = tpu.vector_load %arg8[%get3A_644] {strides = array<i32>} : memref<320xf32, #tpu.memory_space<vmem>>, vector<16xf32>,
      %sub3A_646 = arith.constant 1.000000e+00 : f32
      %sub3A_647 = vector.broadcast %sub3A_646 : f32 to vector<16xf32>
      %sub3A_648 = arith.subf %sub3A_647, %get3A_645 : vector<16xf32>
      %mul3A_649 = arith.mulf %div3A_643, %sub3A_648 : vector<16xf32>
      %mul3A_650 = arith.mulf %convert_element_type3A_640, %mul3A_649 : vector<16xf32>
      %mul3A_651 = arith.mulf %mul3A_650, %div3A_629 : vector<16xf32>
      %sub3A_652 = arith.constant 1.000000e+00 : f32
      %sub3A_653 = vector.broadcast %sub3A_652 : f32 to vector<16xf32>
      %sub3A_654 = arith.subf %sub3A_653, %convert_element_type3A_640 : vector<16xf32>
      %sub3A_655 = arith.constant 1.000000e+00 : f32
      %sub3A_656 = vector.broadcast %sub3A_655 : f32 to vector<16xf32>
      %sub3A_657 = arith.subf %sub3A_656, %mul3A_649 : vector<16xf32>
      %mul3A_658 = arith.mulf %sub3A_657, %div3A_636 : vector<16xf32>
      %sub3A_659 = arith.constant 1.000000e+00 : f32
      %sub3A_660 = vector.broadcast %sub3A_659 : f32 to vector<16xf32>
      %sub3A_661 = arith.subf %sub3A_660, %mul3A_658 : vector<16xf32>
      %mul3A_662 = arith.mulf %sub3A_654, %sub3A_661 : vector<16xf32>
      %add3A_663 = arith.addf %mul3A_651, %mul3A_662 : vector<16xf32>
      %eq3A_664 = arith.constant 0.000000e+00 : f32
      %eq3A_665 = vector.broadcast %eq3A_664 : f32 to vector<16xf32>
      %eq3A_666 = arith.cmpf oeq, %get3A_645, %eq3A_665 : vector<16xf32>
      %select_n3A = arith.select %eq3A_666, %add3A_663, %mul3A_649 : vector<16xi1>, vector<16xf32>
      %get3A_667 = arith.constant 0 : index
      %get3A_668 = tpu.vector_load %arg9[%get3A_667] {strides = array<i32>} : memref<320xf32, #tpu.memory_space<vmem>>, vector<16xf32>,
      %gt3A = arith.cmpf ogt, %select_n3A, %get3A_668 : vector<16xf32>
      %convert_element_type3A_669 = arith.extui %gt3A : vector<16xi1> to vector<16xi32>
      %convert_element_type3A_670 = arith.sitofp %convert_element_type3A_669 : vector<16xi32> to vector<16xf32>
      %add3A_671 = arith.addf %get3A_645, %convert_element_type3A_670 : vector<16xf32>
      %swap3A_672 = arith.constant 0 : index
      %swap3A_673 = tpu.vector_load %arg10[%swap3A_672] {strides = array<i32>} : memref<320xf32, #tpu.memory_space<vmem>>, vector<16xf32>,
      tpu.vector_store %arg10[%swap3A_672], %add3A_671 {strides = array<i32>} : memref<320xf32, #tpu.memory_space<vmem>>, vector<16xf32>,
      %swap3A_674 = arith.constant 0 : index
      %swap3A_675 = tpu.vector_load %arg11[%swap3A_674] {strides = array<i32>} : memref<320xf32, #tpu.memory_space<vmem>>, vector<16xf32>,
      tpu.vector_store %arg11[%swap3A_674], %select_n3A {strides = array<i32>} : memref<320xf32, #tpu.memory_space<vmem>>, vector<16xf32>,
      %get3A_676 = arith.constant 16 : index
      %get3A_677 = tpu.vector_load %arg7[%get3A_676] {strides = array<i32>} : memref<320xf32, #tpu.memory_space<vmem>>, vector<16xf32>,
      %div3A_678 = arith.divf %get3A_677, %max3A_225 : vector<16xf32>
      %get3A_679 = arith.constant 16 : index
      %get3A_680 = tpu.vector_load %arg8[%get3A_679] {strides = array<i32>} : memref<320xf32, #tpu.memory_space<vmem>>, vector<16xf32>,
      %sub3A_681 = arith.constant 1.000000e+00 : f32
      %sub3A_682 = vector.broadcast %sub3A_681 : f32 to vector<16xf32>
      %sub3A_683 = arith.subf %sub3A_682, %get3A_680 : vector<16xf32>
      %mul3A_684 = arith.mulf %div3A_678, %sub3A_683 : vector<16xf32>
      %mul3A_685 = arith.mulf %convert_element_type3A_640, %mul3A_684 : vector<16xf32>
      %mul3A_686 = arith.mulf %mul3A_685, %div3A_629 : vector<16xf32>
      %sub3A_687 = arith.constant 1.000000e+00 : f32
      %sub3A_688 = vector.broadcast %sub3A_687 : f32 to vector<16xf32>
      %sub3A_689 = arith.subf %sub3A_688, %convert_element_type3A_640 : vector<16xf32>
      %sub3A_690 = arith.constant 1.000000e+00 : f32
      %sub3A_691 = vector.broadcast %sub3A_690 : f32 to vector<16xf32>
      %sub3A_692 = arith.subf %sub3A_691, %mul3A_684 : vector<16xf32>
      %mul3A_693 = arith.mulf %sub3A_692, %div3A_636 : vector<16xf32>
      %sub3A_694 = arith.constant 1.000000e+00 : f32
      %sub3A_695 = vector.broadcast %sub3A_694 : f32 to vector<16xf32>
      %sub3A_696 = arith.subf %sub3A_695, %mul3A_693 : vector<16xf32>
      %mul3A_697 = arith.mulf %sub3A_689, %sub3A_696 : vector<16xf32>
      %add3A_698 = arith.addf %mul3A_686, %mul3A_697 : vector<16xf32>
      %eq3A_699 = arith.constant 0.000000e+00 : f32
      %eq3A_700 = vector.broadcast %eq3A_699 : f32 to vector<16xf32>
      %eq3A_701 = arith.cmpf oeq, %get3A_680, %eq3A_700 : vector<16xf32>
      %select_n3A_702 = arith.select %eq3A_701, %add3A_698, %mul3A_684 : vector<16xi1>, vector<16xf32>
      %get3A_703 = arith.constant 16 : index
      %get3A_704 = tpu.vector_load %arg9[%get3A_703] {strides = array<i32>} : memref<320xf32, #tpu.memory_space<vmem>>, vector<16xf32>,
      %gt3A_705 = arith.cmpf ogt, %select_n3A_702, %get3A_704 : vector<16xf32>
      %convert_element_type3A_706 = arith.extui %gt3A_705 : vector<16xi1> to vector<16xi32>
      %convert_element_type3A_707 = arith.sitofp %convert_element_type3A_706 : vector<16xi32> to vector<16xf32>
      %add3A_708 = arith.addf %get3A_680, %convert_element_type3A_707 : vector<16xf32>
      %swap3A_709 = arith.constant 16 : index
      %swap3A_710 = tpu.vector_load %arg10[%swap3A_709] {strides = array<i32>} : memref<320xf32, #tpu.memory_space<vmem>>, vector<16xf32>,
      tpu.vector_store %arg10[%swap3A_709], %add3A_708 {strides = array<i32>} : memref<320xf32, #tpu.memory_space<vmem>>, vector<16xf32>,
      %swap3A_711 = arith.constant 16 : index
      %swap3A_712 = tpu.vector_load %arg11[%swap3A_711] {strides = array<i32>} : memref<320xf32, #tpu.memory_space<vmem>>, vector<16xf32>,
      tpu.vector_store %arg11[%swap3A_711], %select_n3A_702 {strides = array<i32>} : memref<320xf32, #tpu.memory_space<vmem>>, vector<16xf32>,
      %get3A_713 = arith.constant 32 : index
      %get3A_714 = tpu.vector_load %arg7[%get3A_713] {strides = array<i32>} : memref<320xf32, #tpu.memory_space<vmem>>, vector<16xf32>,
      %div3A_715 = arith.divf %get3A_714, %max3A_225 : vector<16xf32>
      %get3A_716 = arith.constant 32 : index
      %get3A_717 = tpu.vector_load %arg8[%get3A_716] {strides = array<i32>} : memref<320xf32, #tpu.memory_space<vmem>>, vector<16xf32>,
      %sub3A_718 = arith.constant 1.000000e+00 : f32
      %sub3A_719 = vector.broadcast %sub3A_718 : f32 to vector<16xf32>
      %sub3A_720 = arith.subf %sub3A_719, %get3A_717 : vector<16xf32>
      %mul3A_721 = arith.mulf %div3A_715, %sub3A_720 : vector<16xf32>
      %mul3A_722 = arith.mulf %convert_element_type3A_640, %mul3A_721 : vector<16xf32>
      %mul3A_723 = arith.mulf %mul3A_722, %div3A_629 : vector<16xf32>
      %sub3A_724 = arith.constant 1.000000e+00 : f32
      %sub3A_725 = vector.broadcast %sub3A_724 : f32 to vector<16xf32>
      %sub3A_726 = arith.subf %sub3A_725, %convert_element_type3A_640 : vector<16xf32>
      %sub3A_727 = arith.constant 1.000000e+00 : f32
      %sub3A_728 = vector.broadcast %sub3A_727 : f32 to vector<16xf32>
      %sub3A_729 = arith.subf %sub3A_728, %mul3A_721 : vector<16xf32>
      %mul3A_730 = arith.mulf %sub3A_729, %div3A_636 : vector<16xf32>
      %sub3A_731 = arith.constant 1.000000e+00 : f32
      %sub3A_732 = vector.broadcast %sub3A_731 : f32 to vector<16xf32>
      %sub3A_733 = arith.subf %sub3A_732, %mul3A_730 : vector<16xf32>
      %mul3A_734 = arith.mulf %sub3A_726, %sub3A_733 : vector<16xf32>
      %add3A_735 = arith.addf %mul3A_723, %mul3A_734 : vector<16xf32>
      %eq3A_736 = arith.constant 0.000000e+00 : f32
      %eq3A_737 = vector.broadcast %eq3A_736 : f32 to vector<16xf32>
      %eq3A_738 = arith.cmpf oeq, %get3A_717, %eq3A_737 : vector<16xf32>
      %select_n3A_739 = arith.select %eq3A_738, %add3A_735, %mul3A_721 : vector<16xi1>, vector<16xf32>
      %get3A_740 = arith.constant 32 : index
      %get3A_741 = tpu.vector_load %arg9[%get3A_740] {strides = array<i32>} : memref<320xf32, #tpu.memory_space<vmem>>, vector<16xf32>,
      %gt3A_742 = arith.cmpf ogt, %select_n3A_739, %get3A_741 : vector<16xf32>
      %convert_element_type3A_743 = arith.extui %gt3A_742 : vector<16xi1> to vector<16xi32>
      %convert_element_type3A_744 = arith.sitofp %convert_element_type3A_743 : vector<16xi32> to vector<16xf32>
      %add3A_745 = arith.addf %get3A_717, %convert_element_type3A_744 : vector<16xf32>
      %swap3A_746 = arith.constant 32 : index
      %swap3A_747 = tpu.vector_load %arg10[%swap3A_746] {strides = array<i32>} : memref<320xf32, #tpu.memory_space<vmem>>, vector<16xf32>,
      tpu.vector_store %arg10[%swap3A_746], %add3A_745 {strides = array<i32>} : memref<320xf32, #tpu.memory_space<vmem>>, vector<16xf32>,
      %swap3A_748 = arith.constant 32 : index
      %swap3A_749 = tpu.vector_load %arg11[%swap3A_748] {strides = array<i32>} : memref<320xf32, #tpu.memory_space<vmem>>, vector<16xf32>,
      tpu.vector_store %arg11[%swap3A_748], %select_n3A_739 {strides = array<i32>} : memref<320xf32, #tpu.memory_space<vmem>>, vector<16xf32>,
      %get3A_750 = arith.constant 48 : index
      %get3A_751 = tpu.vector_load %arg7[%get3A_750] {strides = array<i32>} : memref<320xf32, #tpu.memory_space<vmem>>, vector<16xf32>,
      %div3A_752 = arith.divf %get3A_751, %max3A_225 : vector<16xf32>
      %get3A_753 = arith.constant 48 : index
      %get3A_754 = tpu.vector_load %arg8[%get3A_753] {strides = array<i32>} : memref<320xf32, #tpu.memory_space<vmem>>, vector<16xf32>,
      %sub3A_755 = arith.constant 1.000000e+00 : f32
      %sub3A_756 = vector.broadcast %sub3A_755 : f32 to vector<16xf32>
      %sub3A_757 = arith.subf %sub3A_756, %get3A_754 : vector<16xf32>
      %mul3A_758 = arith.mulf %div3A_752, %sub3A_757 : vector<16xf32>
      %mul3A_759 = arith.mulf %convert_element_type3A_640, %mul3A_758 : vector<16xf32>
      %mul3A_760 = arith.mulf %mul3A_759, %div3A_629 : vector<16xf32>
      %sub3A_761 = arith.constant 1.000000e+00 : f32
      %sub3A_762 = vector.broadcast %sub3A_761 : f32 to vector<16xf32>
      %sub3A_763 = arith.subf %sub3A_762, %convert_element_type3A_640 : vector<16xf32>
      %sub3A_764 = arith.constant 1.000000e+00 : f32
      %sub3A_765 = vector.broadcast %sub3A_764 : f32 to vector<16xf32>
      %sub3A_766 = arith.subf %sub3A_765, %mul3A_758 : vector<16xf32>
      %mul3A_767 = arith.mulf %sub3A_766, %div3A_636 : vector<16xf32>
      %sub3A_768 = arith.constant 1.000000e+00 : f32
      %sub3A_769 = vector.broadcast %sub3A_768 : f32 to vector<16xf32>
      %sub3A_770 = arith.subf %sub3A_769, %mul3A_767 : vector<16xf32>
      %mul3A_771 = arith.mulf %sub3A_763, %sub3A_770 : vector<16xf32>
      %add3A_772 = arith.addf %mul3A_760, %mul3A_771 : vector<16xf32>
      %eq3A_773 = arith.constant 0.000000e+00 : f32
      %eq3A_774 = vector.broadcast %eq3A_773 : f32 to vector<16xf32>
      %eq3A_775 = arith.cmpf oeq, %get3A_754, %eq3A_774 : vector<16xf32>
      %select_n3A_776 = arith.select %eq3A_775, %add3A_772, %mul3A_758 : vector<16xi1>, vector<16xf32>
      %get3A_777 = arith.constant 48 : index
      %get3A_778 = tpu.vector_load %arg9[%get3A_777] {strides = array<i32>} : memref<320xf32, #tpu.memory_space<vmem>>, vector<16xf32>,
      %gt3A_779 = arith.cmpf ogt, %select_n3A_776, %get3A_778 : vector<16xf32>
      %convert_element_type3A_780 = arith.extui %gt3A_779 : vector<16xi1> to vector<16xi32>
      %convert_element_type3A_781 = arith.sitofp %convert_element_type3A_780 : vector<16xi32> to vector<16xf32>
      %add3A_782 = arith.addf %get3A_754, %convert_element_type3A_781 : vector<16xf32>
      %swap3A_783 = arith.constant 48 : index
      %swap3A_784 = tpu.vector_load %arg10[%swap3A_783] {strides = array<i32>} : memref<320xf32, #tpu.memory_space<vmem>>, vector<16xf32>,
      tpu.vector_store %arg10[%swap3A_783], %add3A_782 {strides = array<i32>} : memref<320xf32, #tpu.memory_space<vmem>>, vector<16xf32>,
      %swap3A_785 = arith.constant 48 : index
      %swap3A_786 = tpu.vector_load %arg11[%swap3A_785] {strides = array<i32>} : memref<320xf32, #tpu.memory_space<vmem>>, vector<16xf32>,
      tpu.vector_store %arg11[%swap3A_785], %select_n3A_776 {strides = array<i32>} : memref<320xf32, #tpu.memory_space<vmem>>, vector<16xf32>,
      %get3A_787 = arith.constant 64 : index
      %get3A_788 = tpu.vector_load %arg7[%get3A_787] {strides = array<i32>} : memref<320xf32, #tpu.memory_space<vmem>>, vector<16xf32>,
      %div3A_789 = arith.divf %get3A_788, %max3A_225 : vector<16xf32>
      %get3A_790 = arith.constant 64 : index
      %get3A_791 = tpu.vector_load %arg8[%get3A_790] {strides = array<i32>} : memref<320xf32, #tpu.memory_space<vmem>>, vector<16xf32>,
      %sub3A_792 = arith.constant 1.000000e+00 : f32
      %sub3A_793 = vector.broadcast %sub3A_792 : f32 to vector<16xf32>
      %sub3A_794 = arith.subf %sub3A_793, %get3A_791 : vector<16xf32>
      %mul3A_795 = arith.mulf %div3A_789, %sub3A_794 : vector<16xf32>
      %mul3A_796 = arith.mulf %convert_element_type3A_640, %mul3A_795 : vector<16xf32>
      %mul3A_797 = arith.mulf %mul3A_796, %div3A_629 : vector<16xf32>
      %sub3A_798 = arith.constant 1.000000e+00 : f32
      %sub3A_799 = vector.broadcast %sub3A_798 : f32 to vector<16xf32>
      %sub3A_800 = arith.subf %sub3A_799, %convert_element_type3A_640 : vector<16xf32>
      %sub3A_801 = arith.constant 1.000000e+00 : f32
      %sub3A_802 = vector.broadcast %sub3A_801 : f32 to vector<16xf32>
      %sub3A_803 = arith.subf %sub3A_802, %mul3A_795 : vector<16xf32>
      %mul3A_804 = arith.mulf %sub3A_803, %div3A_636 : vector<16xf32>
      %sub3A_805 = arith.constant 1.000000e+00 : f32
      %sub3A_806 = vector.broadcast %sub3A_805 : f32 to vector<16xf32>
      %sub3A_807 = arith.subf %sub3A_806, %mul3A_804 : vector<16xf32>
      %mul3A_808 = arith.mulf %sub3A_800, %sub3A_807 : vector<16xf32>
      %add3A_809 = arith.addf %mul3A_797, %mul3A_808 : vector<16xf32>
      %eq3A_810 = arith.constant 0.000000e+00 : f32
      %eq3A_811 = vector.broadcast %eq3A_810 : f32 to vector<16xf32>
      %eq3A_812 = arith.cmpf oeq, %get3A_791, %eq3A_811 : vector<16xf32>
      %select_n3A_813 = arith.select %eq3A_812, %add3A_809, %mul3A_795 : vector<16xi1>, vector<16xf32>
      %get3A_814 = arith.constant 64 : index
      %get3A_815 = tpu.vector_load %arg9[%get3A_814] {strides = array<i32>} : memref<320xf32, #tpu.memory_space<vmem>>, vector<16xf32>,
      %gt3A_816 = arith.cmpf ogt, %select_n3A_813, %get3A_815 : vector<16xf32>
      %convert_element_type3A_817 = arith.extui %gt3A_816 : vector<16xi1> to vector<16xi32>
      %convert_element_type3A_818 = arith.sitofp %convert_element_type3A_817 : vector<16xi32> to vector<16xf32>
      %add3A_819 = arith.addf %get3A_791, %convert_element_type3A_818 : vector<16xf32>
      %swap3A_820 = arith.constant 64 : index
      %swap3A_821 = tpu.vector_load %arg10[%swap3A_820] {strides = array<i32>} : memref<320xf32, #tpu.memory_space<vmem>>, vector<16xf32>,
      tpu.vector_store %arg10[%swap3A_820], %add3A_819 {strides = array<i32>} : memref<320xf32, #tpu.memory_space<vmem>>, vector<16xf32>,
      %swap3A_822 = arith.constant 64 : index
      %swap3A_823 = tpu.vector_load %arg11[%swap3A_822] {strides = array<i32>} : memref<320xf32, #tpu.memory_space<vmem>>, vector<16xf32>,
      tpu.vector_store %arg11[%swap3A_822], %select_n3A_813 {strides = array<i32>} : memref<320xf32, #tpu.memory_space<vmem>>, vector<16xf32>,
      %get3A_824 = arith.constant 80 : index
      %get3A_825 = tpu.vector_load %arg7[%get3A_824] {strides = array<i32>} : memref<320xf32, #tpu.memory_space<vmem>>, vector<16xf32>,
      %div3A_826 = arith.divf %get3A_825, %max3A_225 : vector<16xf32>
      %get3A_827 = arith.constant 80 : index
      %get3A_828 = tpu.vector_load %arg8[%get3A_827] {strides = array<i32>} : memref<320xf32, #tpu.memory_space<vmem>>, vector<16xf32>,
      %sub3A_829 = arith.constant 1.000000e+00 : f32
      %sub3A_830 = vector.broadcast %sub3A_829 : f32 to vector<16xf32>
      %sub3A_831 = arith.subf %sub3A_830, %get3A_828 : vector<16xf32>
      %mul3A_832 = arith.mulf %div3A_826, %sub3A_831 : vector<16xf32>
      %mul3A_833 = arith.mulf %convert_element_type3A_640, %mul3A_832 : vector<16xf32>
      %mul3A_834 = arith.mulf %mul3A_833, %div3A_629 : vector<16xf32>
      %sub3A_835 = arith.constant 1.000000e+00 : f32
      %sub3A_836 = vector.broadcast %sub3A_835 : f32 to vector<16xf32>
      %sub3A_837 = arith.subf %sub3A_836, %convert_element_type3A_640 : vector<16xf32>
      %sub3A_838 = arith.constant 1.000000e+00 : f32
      %sub3A_839 = vector.broadcast %sub3A_838 : f32 to vector<16xf32>
      %sub3A_840 = arith.subf %sub3A_839, %mul3A_832 : vector<16xf32>
      %mul3A_841 = arith.mulf %sub3A_840, %div3A_636 : vector<16xf32>
      %sub3A_842 = arith.constant 1.000000e+00 : f32
      %sub3A_843 = vector.broadcast %sub3A_842 : f32 to vector<16xf32>
      %sub3A_844 = arith.subf %sub3A_843, %mul3A_841 : vector<16xf32>
      %mul3A_845 = arith.mulf %sub3A_837, %sub3A_844 : vector<16xf32>
      %add3A_846 = arith.addf %mul3A_834, %mul3A_845 : vector<16xf32>
      %eq3A_847 = arith.constant 0.000000e+00 : f32
      %eq3A_848 = vector.broadcast %eq3A_847 : f32 to vector<16xf32>
      %eq3A_849 = arith.cmpf oeq, %get3A_828, %eq3A_848 : vector<16xf32>
      %select_n3A_850 = arith.select %eq3A_849, %add3A_846, %mul3A_832 : vector<16xi1>, vector<16xf32>
      %get3A_851 = arith.constant 80 : index
      %get3A_852 = tpu.vector_load %arg9[%get3A_851] {strides = array<i32>} : memref<320xf32, #tpu.memory_space<vmem>>, vector<16xf32>,
      %gt3A_853 = arith.cmpf ogt, %select_n3A_850, %get3A_852 : vector<16xf32>
      %convert_element_type3A_854 = arith.extui %gt3A_853 : vector<16xi1> to vector<16xi32>
      %convert_element_type3A_855 = arith.sitofp %convert_element_type3A_854 : vector<16xi32> to vector<16xf32>
      %add3A_856 = arith.addf %get3A_828, %convert_element_type3A_855 : vector<16xf32>
      %swap3A_857 = arith.constant 80 : index
      %swap3A_858 = tpu.vector_load %arg10[%swap3A_857] {strides = array<i32>} : memref<320xf32, #tpu.memory_space<vmem>>, vector<16xf32>,
      tpu.vector_store %arg10[%swap3A_857], %add3A_856 {strides = array<i32>} : memref<320xf32, #tpu.memory_space<vmem>>, vector<16xf32>,
      %swap3A_859 = arith.constant 80 : index
      %swap3A_860 = tpu.vector_load %arg11[%swap3A_859] {strides = array<i32>} : memref<320xf32, #tpu.memory_space<vmem>>, vector<16xf32>,
      tpu.vector_store %arg11[%swap3A_859], %select_n3A_850 {strides = array<i32>} : memref<320xf32, #tpu.memory_space<vmem>>, vector<16xf32>,
      %get3A_861 = arith.constant 96 : index
      %get3A_862 = tpu.vector_load %arg7[%get3A_861] {strides = array<i32>} : memref<320xf32, #tpu.memory_space<vmem>>, vector<16xf32>,
      %div3A_863 = arith.divf %get3A_862, %max3A_225 : vector<16xf32>
      %get3A_864 = arith.constant 96 : index
      %get3A_865 = tpu.vector_load %arg8[%get3A_864] {strides = array<i32>} : memref<320xf32, #tpu.memory_space<vmem>>, vector<16xf32>,
      %sub3A_866 = arith.constant 1.000000e+00 : f32
      %sub3A_867 = vector.broadcast %sub3A_866 : f32 to vector<16xf32>
      %sub3A_868 = arith.subf %sub3A_867, %get3A_865 : vector<16xf32>
      %mul3A_869 = arith.mulf %div3A_863, %sub3A_868 : vector<16xf32>
      %mul3A_870 = arith.mulf %convert_element_type3A_640, %mul3A_869 : vector<16xf32>
      %mul3A_871 = arith.mulf %mul3A_870, %div3A_629 : vector<16xf32>
      %sub3A_872 = arith.constant 1.000000e+00 : f32
      %sub3A_873 = vector.broadcast %sub3A_872 : f32 to vector<16xf32>
      %sub3A_874 = arith.subf %sub3A_873, %convert_element_type3A_640 : vector<16xf32>
      %sub3A_875 = arith.constant 1.000000e+00 : f32
      %sub3A_876 = vector.broadcast %sub3A_875 : f32 to vector<16xf32>
      %sub3A_877 = arith.subf %sub3A_876, %mul3A_869 : vector<16xf32>
      %mul3A_878 = arith.mulf %sub3A_877, %div3A_636 : vector<16xf32>
      %sub3A_879 = arith.constant 1.000000e+00 : f32
      %sub3A_880 = vector.broadcast %sub3A_879 : f32 to vector<16xf32>
      %sub3A_881 = arith.subf %sub3A_880, %mul3A_878 : vector<16xf32>
      %mul3A_882 = arith.mulf %sub3A_874, %sub3A_881 : vector<16xf32>
      %add3A_883 = arith.addf %mul3A_871, %mul3A_882 : vector<16xf32>
      %eq3A_884 = arith.constant 0.000000e+00 : f32
      %eq3A_885 = vector.broadcast %eq3A_884 : f32 to vector<16xf32>
      %eq3A_886 = arith.cmpf oeq, %get3A_865, %eq3A_885 : vector<16xf32>
      %select_n3A_887 = arith.select %eq3A_886, %add3A_883, %mul3A_869 : vector<16xi1>, vector<16xf32>
      %get3A_888 = arith.constant 96 : index
      %get3A_889 = tpu.vector_load %arg9[%get3A_888] {strides = array<i32>} : memref<320xf32, #tpu.memory_space<vmem>>, vector<16xf32>,
      %gt3A_890 = arith.cmpf ogt, %select_n3A_887, %get3A_889 : vector<16xf32>
      %convert_element_type3A_891 = arith.extui %gt3A_890 : vector<16xi1> to vector<16xi32>
      %convert_element_type3A_892 = arith.sitofp %convert_element_type3A_891 : vector<16xi32> to vector<16xf32>
      %add3A_893 = arith.addf %get3A_865, %convert_element_type3A_892 : vector<16xf32>
      %swap3A_894 = arith.constant 96 : index
      %swap3A_895 = tpu.vector_load %arg10[%swap3A_894] {strides = array<i32>} : memref<320xf32, #tpu.memory_space<vmem>>, vector<16xf32>,
      tpu.vector_store %arg10[%swap3A_894], %add3A_893 {strides = array<i32>} : memref<320xf32, #tpu.memory_space<vmem>>, vector<16xf32>,
      %swap3A_896 = arith.constant 96 : index
      %swap3A_897 = tpu.vector_load %arg11[%swap3A_896] {strides = array<i32>} : memref<320xf32, #tpu.memory_space<vmem>>, vector<16xf32>,
      tpu.vector_store %arg11[%swap3A_896], %select_n3A_887 {strides = array<i32>} : memref<320xf32, #tpu.memory_space<vmem>>, vector<16xf32>,
      %get3A_898 = arith.constant 112 : index
      %get3A_899 = tpu.vector_load %arg7[%get3A_898] {strides = array<i32>} : memref<320xf32, #tpu.memory_space<vmem>>, vector<16xf32>,
      %div3A_900 = arith.divf %get3A_899, %max3A_225 : vector<16xf32>
      %get3A_901 = arith.constant 112 : index
      %get3A_902 = tpu.vector_load %arg8[%get3A_901] {strides = array<i32>} : memref<320xf32, #tpu.memory_space<vmem>>, vector<16xf32>,
      %sub3A_903 = arith.constant 1.000000e+00 : f32
      %sub3A_904 = vector.broadcast %sub3A_903 : f32 to vector<16xf32>
      %sub3A_905 = arith.subf %sub3A_904, %get3A_902 : vector<16xf32>
      %mul3A_906 = arith.mulf %div3A_900, %sub3A_905 : vector<16xf32>
      %mul3A_907 = arith.mulf %convert_element_type3A_640, %mul3A_906 : vector<16xf32>
      %mul3A_908 = arith.mulf %mul3A_907, %div3A_629 : vector<16xf32>
      %sub3A_909 = arith.constant 1.000000e+00 : f32
      %sub3A_910 = vector.broadcast %sub3A_909 : f32 to vector<16xf32>
      %sub3A_911 = arith.subf %sub3A_910, %convert_element_type3A_640 : vector<16xf32>
      %sub3A_912 = arith.constant 1.000000e+00 : f32
      %sub3A_913 = vector.broadcast %sub3A_912 : f32 to vector<16xf32>
      %sub3A_914 = arith.subf %sub3A_913, %mul3A_906 : vector<16xf32>
      %mul3A_915 = arith.mulf %sub3A_914, %div3A_636 : vector<16xf32>
      %sub3A_916 = arith.constant 1.000000e+00 : f32
      %sub3A_917 = vector.broadcast %sub3A_916 : f32 to vector<16xf32>
      %sub3A_918 = arith.subf %sub3A_917, %mul3A_915 : vector<16xf32>
      %mul3A_919 = arith.mulf %sub3A_911, %sub3A_918 : vector<16xf32>
      %add3A_920 = arith.addf %mul3A_908, %mul3A_919 : vector<16xf32>
      %eq3A_921 = arith.constant 0.000000e+00 : f32
      %eq3A_922 = vector.broadcast %eq3A_921 : f32 to vector<16xf32>
      %eq3A_923 = arith.cmpf oeq, %get3A_902, %eq3A_922 : vector<16xf32>
      %select_n3A_924 = arith.select %eq3A_923, %add3A_920, %mul3A_906 : vector<16xi1>, vector<16xf32>
      %get3A_925 = arith.constant 112 : index
      %get3A_926 = tpu.vector_load %arg9[%get3A_925] {strides = array<i32>} : memref<320xf32, #tpu.memory_space<vmem>>, vector<16xf32>,
      %gt3A_927 = arith.cmpf ogt, %select_n3A_924, %get3A_926 : vector<16xf32>
      %convert_element_type3A_928 = arith.extui %gt3A_927 : vector<16xi1> to vector<16xi32>
      %convert_element_type3A_929 = arith.sitofp %convert_element_type3A_928 : vector<16xi32> to vector<16xf32>
      %add3A_930 = arith.addf %get3A_902, %convert_element_type3A_929 : vector<16xf32>
      %swap3A_931 = arith.constant 112 : index
      %swap3A_932 = tpu.vector_load %arg10[%swap3A_931] {strides = array<i32>} : memref<320xf32, #tpu.memory_space<vmem>>, vector<16xf32>,
      tpu.vector_store %arg10[%swap3A_931], %add3A_930 {strides = array<i32>} : memref<320xf32, #tpu.memory_space<vmem>>, vector<16xf32>,
      %swap3A_933 = arith.constant 112 : index
      %swap3A_934 = tpu.vector_load %arg11[%swap3A_933] {strides = array<i32>} : memref<320xf32, #tpu.memory_space<vmem>>, vector<16xf32>,
      tpu.vector_store %arg11[%swap3A_933], %select_n3A_924 {strides = array<i32>} : memref<320xf32, #tpu.memory_space<vmem>>, vector<16xf32>,
      %get3A_935 = arith.constant 128 : index
      %get3A_936 = tpu.vector_load %arg7[%get3A_935] {strides = array<i32>} : memref<320xf32, #tpu.memory_space<vmem>>, vector<16xf32>,
      %div3A_937 = arith.divf %get3A_936, %max3A_225 : vector<16xf32>
      %get3A_938 = arith.constant 128 : index
      %get3A_939 = tpu.vector_load %arg8[%get3A_938] {strides = array<i32>} : memref<320xf32, #tpu.memory_space<vmem>>, vector<16xf32>,
      %sub3A_940 = arith.constant 1.000000e+00 : f32
      %sub3A_941 = vector.broadcast %sub3A_940 : f32 to vector<16xf32>
      %sub3A_942 = arith.subf %sub3A_941, %get3A_939 : vector<16xf32>
      %mul3A_943 = arith.mulf %div3A_937, %sub3A_942 : vector<16xf32>
      %mul3A_944 = arith.mulf %convert_element_type3A_640, %mul3A_943 : vector<16xf32>
      %mul3A_945 = arith.mulf %mul3A_944, %div3A_629 : vector<16xf32>
      %sub3A_946 = arith.constant 1.000000e+00 : f32
      %sub3A_947 = vector.broadcast %sub3A_946 : f32 to vector<16xf32>
      %sub3A_948 = arith.subf %sub3A_947, %convert_element_type3A_640 : vector<16xf32>
      %sub3A_949 = arith.constant 1.000000e+00 : f32
      %sub3A_950 = vector.broadcast %sub3A_949 : f32 to vector<16xf32>
      %sub3A_951 = arith.subf %sub3A_950, %mul3A_943 : vector<16xf32>
      %mul3A_952 = arith.mulf %sub3A_951, %div3A_636 : vector<16xf32>
      %sub3A_953 = arith.constant 1.000000e+00 : f32
      %sub3A_954 = vector.broadcast %sub3A_953 : f32 to vector<16xf32>
      %sub3A_955 = arith.subf %sub3A_954, %mul3A_952 : vector<16xf32>
      %mul3A_956 = arith.mulf %sub3A_948, %sub3A_955 : vector<16xf32>
      %add3A_957 = arith.addf %mul3A_945, %mul3A_956 : vector<16xf32>
      %eq3A_958 = arith.constant 0.000000e+00 : f32
      %eq3A_959 = vector.broadcast %eq3A_958 : f32 to vector<16xf32>
      %eq3A_960 = arith.cmpf oeq, %get3A_939, %eq3A_959 : vector<16xf32>
      %select_n3A_961 = arith.select %eq3A_960, %add3A_957, %mul3A_943 : vector<16xi1>, vector<16xf32>
      %get3A_962 = arith.constant 128 : index
      %get3A_963 = tpu.vector_load %arg9[%get3A_962] {strides = array<i32>} : memref<320xf32, #tpu.memory_space<vmem>>, vector<16xf32>,
      %gt3A_964 = arith.cmpf ogt, %select_n3A_961, %get3A_963 : vector<16xf32>
      %convert_element_type3A_965 = arith.extui %gt3A_964 : vector<16xi1> to vector<16xi32>
      %convert_element_type3A_966 = arith.sitofp %convert_element_type3A_965 : vector<16xi32> to vector<16xf32>
      %add3A_967 = arith.addf %get3A_939, %convert_element_type3A_966 : vector<16xf32>
      %swap3A_968 = arith.constant 128 : index
      %swap3A_969 = tpu.vector_load %arg10[%swap3A_968] {strides = array<i32>} : memref<320xf32, #tpu.memory_space<vmem>>, vector<16xf32>,
      tpu.vector_store %arg10[%swap3A_968], %add3A_967 {strides = array<i32>} : memref<320xf32, #tpu.memory_space<vmem>>, vector<16xf32>,
      %swap3A_970 = arith.constant 128 : index
      %swap3A_971 = tpu.vector_load %arg11[%swap3A_970] {strides = array<i32>} : memref<320xf32, #tpu.memory_space<vmem>>, vector<16xf32>,
      tpu.vector_store %arg11[%swap3A_970], %select_n3A_961 {strides = array<i32>} : memref<320xf32, #tpu.memory_space<vmem>>, vector<16xf32>,
      %get3A_972 = arith.constant 144 : index
      %get3A_973 = tpu.vector_load %arg7[%get3A_972] {strides = array<i32>} : memref<320xf32, #tpu.memory_space<vmem>>, vector<16xf32>,
      %div3A_974 = arith.divf %get3A_973, %max3A_225 : vector<16xf32>
      %get3A_975 = arith.constant 144 : index
      %get3A_976 = tpu.vector_load %arg8[%get3A_975] {strides = array<i32>} : memref<320xf32, #tpu.memory_space<vmem>>, vector<16xf32>,
      %sub3A_977 = arith.constant 1.000000e+00 : f32
      %sub3A_978 = vector.broadcast %sub3A_977 : f32 to vector<16xf32>
      %sub3A_979 = arith.subf %sub3A_978, %get3A_976 : vector<16xf32>
      %mul3A_980 = arith.mulf %div3A_974, %sub3A_979 : vector<16xf32>
      %mul3A_981 = arith.mulf %convert_element_type3A_640, %mul3A_980 : vector<16xf32>
      %mul3A_982 = arith.mulf %mul3A_981, %div3A_629 : vector<16xf32>
      %sub3A_983 = arith.constant 1.000000e+00 : f32
      %sub3A_984 = vector.broadcast %sub3A_983 : f32 to vector<16xf32>
      %sub3A_985 = arith.subf %sub3A_984, %convert_element_type3A_640 : vector<16xf32>
      %sub3A_986 = arith.constant 1.000000e+00 : f32
      %sub3A_987 = vector.broadcast %sub3A_986 : f32 to vector<16xf32>
      %sub3A_988 = arith.subf %sub3A_987, %mul3A_980 : vector<16xf32>
      %mul3A_989 = arith.mulf %sub3A_988, %div3A_636 : vector<16xf32>
      %sub3A_990 = arith.constant 1.000000e+00 : f32
      %sub3A_991 = vector.broadcast %sub3A_990 : f32 to vector<16xf32>
      %sub3A_992 = arith.subf %sub3A_991, %mul3A_989 : vector<16xf32>
      %mul3A_993 = arith.mulf %sub3A_985, %sub3A_992 : vector<16xf32>
      %add3A_994 = arith.addf %mul3A_982, %mul3A_993 : vector<16xf32>
      %eq3A_995 = arith.constant 0.000000e+00 : f32
      %eq3A_996 = vector.broadcast %eq3A_995 : f32 to vector<16xf32>
      %eq3A_997 = arith.cmpf oeq, %get3A_976, %eq3A_996 : vector<16xf32>
      %select_n3A_998 = arith.select %eq3A_997, %add3A_994, %mul3A_980 : vector<16xi1>, vector<16xf32>
      %get3A_999 = arith.constant 144 : index
      %get3A_1000 = tpu.vector_load %arg9[%get3A_999] {strides = array<i32>} : memref<320xf32, #tpu.memory_space<vmem>>, vector<16xf32>,
      %gt3A_1001 = arith.cmpf ogt, %select_n3A_998, %get3A_1000 : vector<16xf32>
      %convert_element_type3A_1002 = arith.extui %gt3A_1001 : vector<16xi1> to vector<16xi32>
      %convert_element_type3A_1003 = arith.sitofp %convert_element_type3A_1002 : vector<16xi32> to vector<16xf32>
      %add3A_1004 = arith.addf %get3A_976, %convert_element_type3A_1003 : vector<16xf32>
      %swap3A_1005 = arith.constant 144 : index
      %swap3A_1006 = tpu.vector_load %arg10[%swap3A_1005] {strides = array<i32>} : memref<320xf32, #tpu.memory_space<vmem>>, vector<16xf32>,
      tpu.vector_store %arg10[%swap3A_1005], %add3A_1004 {strides = array<i32>} : memref<320xf32, #tpu.memory_space<vmem>>, vector<16xf32>,
      %swap3A_1007 = arith.constant 144 : index
      %swap3A_1008 = tpu.vector_load %arg11[%swap3A_1007] {strides = array<i32>} : memref<320xf32, #tpu.memory_space<vmem>>, vector<16xf32>,
      tpu.vector_store %arg11[%swap3A_1007], %select_n3A_998 {strides = array<i32>} : memref<320xf32, #tpu.memory_space<vmem>>, vector<16xf32>,
      %get3A_1009 = arith.constant 160 : index
      %get3A_1010 = tpu.vector_load %arg7[%get3A_1009] {strides = array<i32>} : memref<320xf32, #tpu.memory_space<vmem>>, vector<16xf32>,
      %div3A_1011 = arith.divf %get3A_1010, %max3A_225 : vector<16xf32>
      %get3A_1012 = arith.constant 160 : index
      %get3A_1013 = tpu.vector_load %arg8[%get3A_1012] {strides = array<i32>} : memref<320xf32, #tpu.memory_space<vmem>>, vector<16xf32>,
      %sub3A_1014 = arith.constant 1.000000e+00 : f32
      %sub3A_1015 = vector.broadcast %sub3A_1014 : f32 to vector<16xf32>
      %sub3A_1016 = arith.subf %sub3A_1015, %get3A_1013 : vector<16xf32>
      %mul3A_1017 = arith.mulf %div3A_1011, %sub3A_1016 : vector<16xf32>
      %mul3A_1018 = arith.mulf %convert_element_type3A_640, %mul3A_1017 : vector<16xf32>
      %mul3A_1019 = arith.mulf %mul3A_1018, %div3A_629 : vector<16xf32>
      %sub3A_1020 = arith.constant 1.000000e+00 : f32
      %sub3A_1021 = vector.broadcast %sub3A_1020 : f32 to vector<16xf32>
      %sub3A_1022 = arith.subf %sub3A_1021, %convert_element_type3A_640 : vector<16xf32>
      %sub3A_1023 = arith.constant 1.000000e+00 : f32
      %sub3A_1024 = vector.broadcast %sub3A_1023 : f32 to vector<16xf32>
      %sub3A_1025 = arith.subf %sub3A_1024, %mul3A_1017 : vector<16xf32>
      %mul3A_1026 = arith.mulf %sub3A_1025, %div3A_636 : vector<16xf32>
      %sub3A_1027 = arith.constant 1.000000e+00 : f32
      %sub3A_1028 = vector.broadcast %sub3A_1027 : f32 to vector<16xf32>
      %sub3A_1029 = arith.subf %sub3A_1028, %mul3A_1026 : vector<16xf32>
      %mul3A_1030 = arith.mulf %sub3A_1022, %sub3A_1029 : vector<16xf32>
      %add3A_1031 = arith.addf %mul3A_1019, %mul3A_1030 : vector<16xf32>
      %eq3A_1032 = arith.constant 0.000000e+00 : f32
      %eq3A_1033 = vector.broadcast %eq3A_1032 : f32 to vector<16xf32>
      %eq3A_1034 = arith.cmpf oeq, %get3A_1013, %eq3A_1033 : vector<16xf32>
      %select_n3A_1035 = arith.select %eq3A_1034, %add3A_1031, %mul3A_1017 : vector<16xi1>, vector<16xf32>
      %get3A_1036 = arith.constant 160 : index
      %get3A_1037 = tpu.vector_load %arg9[%get3A_1036] {strides = array<i32>} : memref<320xf32, #tpu.memory_space<vmem>>, vector<16xf32>,
      %gt3A_1038 = arith.cmpf ogt, %select_n3A_1035, %get3A_1037 : vector<16xf32>
      %convert_element_type3A_1039 = arith.extui %gt3A_1038 : vector<16xi1> to vector<16xi32>
      %convert_element_type3A_1040 = arith.sitofp %convert_element_type3A_1039 : vector<16xi32> to vector<16xf32>
      %add3A_1041 = arith.addf %get3A_1013, %convert_element_type3A_1040 : vector<16xf32>
      %swap3A_1042 = arith.constant 160 : index
      %swap3A_1043 = tpu.vector_load %arg10[%swap3A_1042] {strides = array<i32>} : memref<320xf32, #tpu.memory_space<vmem>>, vector<16xf32>,
      tpu.vector_store %arg10[%swap3A_1042], %add3A_1041 {strides = array<i32>} : memref<320xf32, #tpu.memory_space<vmem>>, vector<16xf32>,
      %swap3A_1044 = arith.constant 160 : index
      %swap3A_1045 = tpu.vector_load %arg11[%swap3A_1044] {strides = array<i32>} : memref<320xf32, #tpu.memory_space<vmem>>, vector<16xf32>,
      tpu.vector_store %arg11[%swap3A_1044], %select_n3A_1035 {strides = array<i32>} : memref<320xf32, #tpu.memory_space<vmem>>, vector<16xf32>,
      %get3A_1046 = arith.constant 176 : index
      %get3A_1047 = tpu.vector_load %arg7[%get3A_1046] {strides = array<i32>} : memref<320xf32, #tpu.memory_space<vmem>>, vector<16xf32>,
      %div3A_1048 = arith.divf %get3A_1047, %max3A_225 : vector<16xf32>
      %get3A_1049 = arith.constant 176 : index
      %get3A_1050 = tpu.vector_load %arg8[%get3A_1049] {strides = array<i32>} : memref<320xf32, #tpu.memory_space<vmem>>, vector<16xf32>,
      %sub3A_1051 = arith.constant 1.000000e+00 : f32
      %sub3A_1052 = vector.broadcast %sub3A_1051 : f32 to vector<16xf32>
      %sub3A_1053 = arith.subf %sub3A_1052, %get3A_1050 : vector<16xf32>
      %mul3A_1054 = arith.mulf %div3A_1048, %sub3A_1053 : vector<16xf32>
      %mul3A_1055 = arith.mulf %convert_element_type3A_640, %mul3A_1054 : vector<16xf32>
      %mul3A_1056 = arith.mulf %mul3A_1055, %div3A_629 : vector<16xf32>
      %sub3A_1057 = arith.constant 1.000000e+00 : f32
      %sub3A_1058 = vector.broadcast %sub3A_1057 : f32 to vector<16xf32>
      %sub3A_1059 = arith.subf %sub3A_1058, %convert_element_type3A_640 : vector<16xf32>
      %sub3A_1060 = arith.constant 1.000000e+00 : f32
      %sub3A_1061 = vector.broadcast %sub3A_1060 : f32 to vector<16xf32>
      %sub3A_1062 = arith.subf %sub3A_1061, %mul3A_1054 : vector<16xf32>
      %mul3A_1063 = arith.mulf %sub3A_1062, %div3A_636 : vector<16xf32>
      %sub3A_1064 = arith.constant 1.000000e+00 : f32
      %sub3A_1065 = vector.broadcast %sub3A_1064 : f32 to vector<16xf32>
      %sub3A_1066 = arith.subf %sub3A_1065, %mul3A_1063 : vector<16xf32>
      %mul3A_1067 = arith.mulf %sub3A_1059, %sub3A_1066 : vector<16xf32>
      %add3A_1068 = arith.addf %mul3A_1056, %mul3A_1067 : vector<16xf32>
      %eq3A_1069 = arith.constant 0.000000e+00 : f32
      %eq3A_1070 = vector.broadcast %eq3A_1069 : f32 to vector<16xf32>
      %eq3A_1071 = arith.cmpf oeq, %get3A_1050, %eq3A_1070 : vector<16xf32>
      %select_n3A_1072 = arith.select %eq3A_1071, %add3A_1068, %mul3A_1054 : vector<16xi1>, vector<16xf32>
      %get3A_1073 = arith.constant 176 : index
      %get3A_1074 = tpu.vector_load %arg9[%get3A_1073] {strides = array<i32>} : memref<320xf32, #tpu.memory_space<vmem>>, vector<16xf32>,
      %gt3A_1075 = arith.cmpf ogt, %select_n3A_1072, %get3A_1074 : vector<16xf32>
      %convert_element_type3A_1076 = arith.extui %gt3A_1075 : vector<16xi1> to vector<16xi32>
      %convert_element_type3A_1077 = arith.sitofp %convert_element_type3A_1076 : vector<16xi32> to vector<16xf32>
      %add3A_1078 = arith.addf %get3A_1050, %convert_element_type3A_1077 : vector<16xf32>
      %swap3A_1079 = arith.constant 176 : index
      %swap3A_1080 = tpu.vector_load %arg10[%swap3A_1079] {strides = array<i32>} : memref<320xf32, #tpu.memory_space<vmem>>, vector<16xf32>,
      tpu.vector_store %arg10[%swap3A_1079], %add3A_1078 {strides = array<i32>} : memref<320xf32, #tpu.memory_space<vmem>>, vector<16xf32>,
      %swap3A_1081 = arith.constant 176 : index
      %swap3A_1082 = tpu.vector_load %arg11[%swap3A_1081] {strides = array<i32>} : memref<320xf32, #tpu.memory_space<vmem>>, vector<16xf32>,
      tpu.vector_store %arg11[%swap3A_1081], %select_n3A_1072 {strides = array<i32>} : memref<320xf32, #tpu.memory_space<vmem>>, vector<16xf32>,
      %get3A_1083 = arith.constant 192 : index
      %get3A_1084 = tpu.vector_load %arg7[%get3A_1083] {strides = array<i32>} : memref<320xf32, #tpu.memory_space<vmem>>, vector<16xf32>,
      %div3A_1085 = arith.divf %get3A_1084, %max3A_225 : vector<16xf32>
      %get3A_1086 = arith.constant 192 : index
      %get3A_1087 = tpu.vector_load %arg8[%get3A_1086] {strides = array<i32>} : memref<320xf32, #tpu.memory_space<vmem>>, vector<16xf32>,
      %sub3A_1088 = arith.constant 1.000000e+00 : f32
      %sub3A_1089 = vector.broadcast %sub3A_1088 : f32 to vector<16xf32>
      %sub3A_1090 = arith.subf %sub3A_1089, %get3A_1087 : vector<16xf32>
      %mul3A_1091 = arith.mulf %div3A_1085, %sub3A_1090 : vector<16xf32>
      %mul3A_1092 = arith.mulf %convert_element_type3A_640, %mul3A_1091 : vector<16xf32>
      %mul3A_1093 = arith.mulf %mul3A_1092, %div3A_629 : vector<16xf32>
      %sub3A_1094 = arith.constant 1.000000e+00 : f32
      %sub3A_1095 = vector.broadcast %sub3A_1094 : f32 to vector<16xf32>
      %sub3A_1096 = arith.subf %sub3A_1095, %convert_element_type3A_640 : vector<16xf32>
      %sub3A_1097 = arith.constant 1.000000e+00 : f32
      %sub3A_1098 = vector.broadcast %sub3A_1097 : f32 to vector<16xf32>
      %sub3A_1099 = arith.subf %sub3A_1098, %mul3A_1091 : vector<16xf32>
      %mul3A_1100 = arith.mulf %sub3A_1099, %div3A_636 : vector<16xf32>
      %sub3A_1101 = arith.constant 1.000000e+00 : f32
      %sub3A_1102 = vector.broadcast %sub3A_1101 : f32 to vector<16xf32>
      %sub3A_1103 = arith.subf %sub3A_1102, %mul3A_1100 : vector<16xf32>
      %mul3A_1104 = arith.mulf %sub3A_1096, %sub3A_1103 : vector<16xf32>
      %add3A_1105 = arith.addf %mul3A_1093, %mul3A_1104 : vector<16xf32>
      %eq3A_1106 = arith.constant 0.000000e+00 : f32
      %eq3A_1107 = vector.broadcast %eq3A_1106 : f32 to vector<16xf32>
      %eq3A_1108 = arith.cmpf oeq, %get3A_1087, %eq3A_1107 : vector<16xf32>
      %select_n3A_1109 = arith.select %eq3A_1108, %add3A_1105, %mul3A_1091 : vector<16xi1>, vector<16xf32>
      %get3A_1110 = arith.constant 192 : index
      %get3A_1111 = tpu.vector_load %arg9[%get3A_1110] {strides = array<i32>} : memref<320xf32, #tpu.memory_space<vmem>>, vector<16xf32>,
      %gt3A_1112 = arith.cmpf ogt, %select_n3A_1109, %get3A_1111 : vector<16xf32>
      %convert_element_type3A_1113 = arith.extui %gt3A_1112 : vector<16xi1> to vector<16xi32>
      %convert_element_type3A_1114 = arith.sitofp %convert_element_type3A_1113 : vector<16xi32> to vector<16xf32>
      %add3A_1115 = arith.addf %get3A_1087, %convert_element_type3A_1114 : vector<16xf32>
      %swap3A_1116 = arith.constant 192 : index
      %swap3A_1117 = tpu.vector_load %arg10[%swap3A_1116] {strides = array<i32>} : memref<320xf32, #tpu.memory_space<vmem>>, vector<16xf32>,
      tpu.vector_store %arg10[%swap3A_1116], %add3A_1115 {strides = array<i32>} : memref<320xf32, #tpu.memory_space<vmem>>, vector<16xf32>,
      %swap3A_1118 = arith.constant 192 : index
      %swap3A_1119 = tpu.vector_load %arg11[%swap3A_1118] {strides = array<i32>} : memref<320xf32, #tpu.memory_space<vmem>>, vector<16xf32>,
      tpu.vector_store %arg11[%swap3A_1118], %select_n3A_1109 {strides = array<i32>} : memref<320xf32, #tpu.memory_space<vmem>>, vector<16xf32>,
      %get3A_1120 = arith.constant 208 : index
      %get3A_1121 = tpu.vector_load %arg7[%get3A_1120] {strides = array<i32>} : memref<320xf32, #tpu.memory_space<vmem>>, vector<16xf32>,
      %div3A_1122 = arith.divf %get3A_1121, %max3A_225 : vector<16xf32>
      %get3A_1123 = arith.constant 208 : index
      %get3A_1124 = tpu.vector_load %arg8[%get3A_1123] {strides = array<i32>} : memref<320xf32, #tpu.memory_space<vmem>>, vector<16xf32>,
      %sub3A_1125 = arith.constant 1.000000e+00 : f32
      %sub3A_1126 = vector.broadcast %sub3A_1125 : f32 to vector<16xf32>
      %sub3A_1127 = arith.subf %sub3A_1126, %get3A_1124 : vector<16xf32>
      %mul3A_1128 = arith.mulf %div3A_1122, %sub3A_1127 : vector<16xf32>
      %mul3A_1129 = arith.mulf %convert_element_type3A_640, %mul3A_1128 : vector<16xf32>
      %mul3A_1130 = arith.mulf %mul3A_1129, %div3A_629 : vector<16xf32>
      %sub3A_1131 = arith.constant 1.000000e+00 : f32
      %sub3A_1132 = vector.broadcast %sub3A_1131 : f32 to vector<16xf32>
      %sub3A_1133 = arith.subf %sub3A_1132, %convert_element_type3A_640 : vector<16xf32>
      %sub3A_1134 = arith.constant 1.000000e+00 : f32
      %sub3A_1135 = vector.broadcast %sub3A_1134 : f32 to vector<16xf32>
      %sub3A_1136 = arith.subf %sub3A_1135, %mul3A_1128 : vector<16xf32>
      %mul3A_1137 = arith.mulf %sub3A_1136, %div3A_636 : vector<16xf32>
      %sub3A_1138 = arith.constant 1.000000e+00 : f32
      %sub3A_1139 = vector.broadcast %sub3A_1138 : f32 to vector<16xf32>
      %sub3A_1140 = arith.subf %sub3A_1139, %mul3A_1137 : vector<16xf32>
      %mul3A_1141 = arith.mulf %sub3A_1133, %sub3A_1140 : vector<16xf32>
      %add3A_1142 = arith.addf %mul3A_1130, %mul3A_1141 : vector<16xf32>
      %eq3A_1143 = arith.constant 0.000000e+00 : f32
      %eq3A_1144 = vector.broadcast %eq3A_1143 : f32 to vector<16xf32>
      %eq3A_1145 = arith.cmpf oeq, %get3A_1124, %eq3A_1144 : vector<16xf32>
      %select_n3A_1146 = arith.select %eq3A_1145, %add3A_1142, %mul3A_1128 : vector<16xi1>, vector<16xf32>
      %get3A_1147 = arith.constant 208 : index
      %get3A_1148 = tpu.vector_load %arg9[%get3A_1147] {strides = array<i32>} : memref<320xf32, #tpu.memory_space<vmem>>, vector<16xf32>,
      %gt3A_1149 = arith.cmpf ogt, %select_n3A_1146, %get3A_1148 : vector<16xf32>
      %convert_element_type3A_1150 = arith.extui %gt3A_1149 : vector<16xi1> to vector<16xi32>
      %convert_element_type3A_1151 = arith.sitofp %convert_element_type3A_1150 : vector<16xi32> to vector<16xf32>
      %add3A_1152 = arith.addf %get3A_1124, %convert_element_type3A_1151 : vector<16xf32>
      %swap3A_1153 = arith.constant 208 : index
      %swap3A_1154 = tpu.vector_load %arg10[%swap3A_1153] {strides = array<i32>} : memref<320xf32, #tpu.memory_space<vmem>>, vector<16xf32>,
      tpu.vector_store %arg10[%swap3A_1153], %add3A_1152 {strides = array<i32>} : memref<320xf32, #tpu.memory_space<vmem>>, vector<16xf32>,
      %swap3A_1155 = arith.constant 208 : index
      %swap3A_1156 = tpu.vector_load %arg11[%swap3A_1155] {strides = array<i32>} : memref<320xf32, #tpu.memory_space<vmem>>, vector<16xf32>,
      tpu.vector_store %arg11[%swap3A_1155], %select_n3A_1146 {strides = array<i32>} : memref<320xf32, #tpu.memory_space<vmem>>, vector<16xf32>,
      %get3A_1157 = arith.constant 224 : index
      %get3A_1158 = tpu.vector_load %arg7[%get3A_1157] {strides = array<i32>} : memref<320xf32, #tpu.memory_space<vmem>>, vector<16xf32>,
      %div3A_1159 = arith.divf %get3A_1158, %max3A_225 : vector<16xf32>
      %get3A_1160 = arith.constant 224 : index
      %get3A_1161 = tpu.vector_load %arg8[%get3A_1160] {strides = array<i32>} : memref<320xf32, #tpu.memory_space<vmem>>, vector<16xf32>,
      %sub3A_1162 = arith.constant 1.000000e+00 : f32
      %sub3A_1163 = vector.broadcast %sub3A_1162 : f32 to vector<16xf32>
      %sub3A_1164 = arith.subf %sub3A_1163, %get3A_1161 : vector<16xf32>
      %mul3A_1165 = arith.mulf %div3A_1159, %sub3A_1164 : vector<16xf32>
      %mul3A_1166 = arith.mulf %convert_element_type3A_640, %mul3A_1165 : vector<16xf32>
      %mul3A_1167 = arith.mulf %mul3A_1166, %div3A_629 : vector<16xf32>
      %sub3A_1168 = arith.constant 1.000000e+00 : f32
      %sub3A_1169 = vector.broadcast %sub3A_1168 : f32 to vector<16xf32>
      %sub3A_1170 = arith.subf %sub3A_1169, %convert_element_type3A_640 : vector<16xf32>
      %sub3A_1171 = arith.constant 1.000000e+00 : f32
      %sub3A_1172 = vector.broadcast %sub3A_1171 : f32 to vector<16xf32>
      %sub3A_1173 = arith.subf %sub3A_1172, %mul3A_1165 : vector<16xf32>
      %mul3A_1174 = arith.mulf %sub3A_1173, %div3A_636 : vector<16xf32>
      %sub3A_1175 = arith.constant 1.000000e+00 : f32
      %sub3A_1176 = vector.broadcast %sub3A_1175 : f32 to vector<16xf32>
      %sub3A_1177 = arith.subf %sub3A_1176, %mul3A_1174 : vector<16xf32>
      %mul3A_1178 = arith.mulf %sub3A_1170, %sub3A_1177 : vector<16xf32>
      %add3A_1179 = arith.addf %mul3A_1167, %mul3A_1178 : vector<16xf32>
      %eq3A_1180 = arith.constant 0.000000e+00 : f32
      %eq3A_1181 = vector.broadcast %eq3A_1180 : f32 to vector<16xf32>
      %eq3A_1182 = arith.cmpf oeq, %get3A_1161, %eq3A_1181 : vector<16xf32>
      %select_n3A_1183 = arith.select %eq3A_1182, %add3A_1179, %mul3A_1165 : vector<16xi1>, vector<16xf32>
      %get3A_1184 = arith.constant 224 : index
      %get3A_1185 = tpu.vector_load %arg9[%get3A_1184] {strides = array<i32>} : memref<320xf32, #tpu.memory_space<vmem>>, vector<16xf32>,
      %gt3A_1186 = arith.cmpf ogt, %select_n3A_1183, %get3A_1185 : vector<16xf32>
      %convert_element_type3A_1187 = arith.extui %gt3A_1186 : vector<16xi1> to vector<16xi32>
      %convert_element_type3A_1188 = arith.sitofp %convert_element_type3A_1187 : vector<16xi32> to vector<16xf32>
      %add3A_1189 = arith.addf %get3A_1161, %convert_element_type3A_1188 : vector<16xf32>
      %swap3A_1190 = arith.constant 224 : index
      %swap3A_1191 = tpu.vector_load %arg10[%swap3A_1190] {strides = array<i32>} : memref<320xf32, #tpu.memory_space<vmem>>, vector<16xf32>,
      tpu.vector_store %arg10[%swap3A_1190], %add3A_1189 {strides = array<i32>} : memref<320xf32, #tpu.memory_space<vmem>>, vector<16xf32>,
      %swap3A_1192 = arith.constant 224 : index
      %swap3A_1193 = tpu.vector_load %arg11[%swap3A_1192] {strides = array<i32>} : memref<320xf32, #tpu.memory_space<vmem>>, vector<16xf32>,
      tpu.vector_store %arg11[%swap3A_1192], %select_n3A_1183 {strides = array<i32>} : memref<320xf32, #tpu.memory_space<vmem>>, vector<16xf32>,
      %get3A_1194 = arith.constant 240 : index
      %get3A_1195 = tpu.vector_load %arg7[%get3A_1194] {strides = array<i32>} : memref<320xf32, #tpu.memory_space<vmem>>, vector<16xf32>,
      %div3A_1196 = arith.divf %get3A_1195, %max3A_225 : vector<16xf32>
      %get3A_1197 = arith.constant 240 : index
      %get3A_1198 = tpu.vector_load %arg8[%get3A_1197] {strides = array<i32>} : memref<320xf32, #tpu.memory_space<vmem>>, vector<16xf32>,
      %sub3A_1199 = arith.constant 1.000000e+00 : f32
      %sub3A_1200 = vector.broadcast %sub3A_1199 : f32 to vector<16xf32>
      %sub3A_1201 = arith.subf %sub3A_1200, %get3A_1198 : vector<16xf32>
      %mul3A_1202 = arith.mulf %div3A_1196, %sub3A_1201 : vector<16xf32>
      %mul3A_1203 = arith.mulf %convert_element_type3A_640, %mul3A_1202 : vector<16xf32>
      %mul3A_1204 = arith.mulf %mul3A_1203, %div3A_629 : vector<16xf32>
      %sub3A_1205 = arith.constant 1.000000e+00 : f32
      %sub3A_1206 = vector.broadcast %sub3A_1205 : f32 to vector<16xf32>
      %sub3A_1207 = arith.subf %sub3A_1206, %convert_element_type3A_640 : vector<16xf32>
      %sub3A_1208 = arith.constant 1.000000e+00 : f32
      %sub3A_1209 = vector.broadcast %sub3A_1208 : f32 to vector<16xf32>
      %sub3A_1210 = arith.subf %sub3A_1209, %mul3A_1202 : vector<16xf32>
      %mul3A_1211 = arith.mulf %sub3A_1210, %div3A_636 : vector<16xf32>
      %sub3A_1212 = arith.constant 1.000000e+00 : f32
      %sub3A_1213 = vector.broadcast %sub3A_1212 : f32 to vector<16xf32>
      %sub3A_1214 = arith.subf %sub3A_1213, %mul3A_1211 : vector<16xf32>
      %mul3A_1215 = arith.mulf %sub3A_1207, %sub3A_1214 : vector<16xf32>
      %add3A_1216 = arith.addf %mul3A_1204, %mul3A_1215 : vector<16xf32>
      %eq3A_1217 = arith.constant 0.000000e+00 : f32
      %eq3A_1218 = vector.broadcast %eq3A_1217 : f32 to vector<16xf32>
      %eq3A_1219 = arith.cmpf oeq, %get3A_1198, %eq3A_1218 : vector<16xf32>
      %select_n3A_1220 = arith.select %eq3A_1219, %add3A_1216, %mul3A_1202 : vector<16xi1>, vector<16xf32>
      %get3A_1221 = arith.constant 240 : index
      %get3A_1222 = tpu.vector_load %arg9[%get3A_1221] {strides = array<i32>} : memref<320xf32, #tpu.memory_space<vmem>>, vector<16xf32>,
      %gt3A_1223 = arith.cmpf ogt, %select_n3A_1220, %get3A_1222 : vector<16xf32>
      %convert_element_type3A_1224 = arith.extui %gt3A_1223 : vector<16xi1> to vector<16xi32>
      %convert_element_type3A_1225 = arith.sitofp %convert_element_type3A_1224 : vector<16xi32> to vector<16xf32>
      %add3A_1226 = arith.addf %get3A_1198, %convert_element_type3A_1225 : vector<16xf32>
      %swap3A_1227 = arith.constant 240 : index
      %swap3A_1228 = tpu.vector_load %arg10[%swap3A_1227] {strides = array<i32>} : memref<320xf32, #tpu.memory_space<vmem>>, vector<16xf32>,
      tpu.vector_store %arg10[%swap3A_1227], %add3A_1226 {strides = array<i32>} : memref<320xf32, #tpu.memory_space<vmem>>, vector<16xf32>,
      %swap3A_1229 = arith.constant 240 : index
      %swap3A_1230 = tpu.vector_load %arg11[%swap3A_1229] {strides = array<i32>} : memref<320xf32, #tpu.memory_space<vmem>>, vector<16xf32>,
      tpu.vector_store %arg11[%swap3A_1229], %select_n3A_1220 {strides = array<i32>} : memref<320xf32, #tpu.memory_space<vmem>>, vector<16xf32>,
      %get3A_1231 = arith.constant 256 : index
      %get3A_1232 = tpu.vector_load %arg7[%get3A_1231] {strides = array<i32>} : memref<320xf32, #tpu.memory_space<vmem>>, vector<16xf32>,
      %div3A_1233 = arith.divf %get3A_1232, %max3A_225 : vector<16xf32>
      %get3A_1234 = arith.constant 256 : index
      %get3A_1235 = tpu.vector_load %arg8[%get3A_1234] {strides = array<i32>} : memref<320xf32, #tpu.memory_space<vmem>>, vector<16xf32>,
      %sub3A_1236 = arith.constant 1.000000e+00 : f32
      %sub3A_1237 = vector.broadcast %sub3A_1236 : f32 to vector<16xf32>
      %sub3A_1238 = arith.subf %sub3A_1237, %get3A_1235 : vector<16xf32>
      %mul3A_1239 = arith.mulf %div3A_1233, %sub3A_1238 : vector<16xf32>
      %mul3A_1240 = arith.mulf %convert_element_type3A_640, %mul3A_1239 : vector<16xf32>
      %mul3A_1241 = arith.mulf %mul3A_1240, %div3A_629 : vector<16xf32>
      %sub3A_1242 = arith.constant 1.000000e+00 : f32
      %sub3A_1243 = vector.broadcast %sub3A_1242 : f32 to vector<16xf32>
      %sub3A_1244 = arith.subf %sub3A_1243, %convert_element_type3A_640 : vector<16xf32>
      %sub3A_1245 = arith.constant 1.000000e+00 : f32
      %sub3A_1246 = vector.broadcast %sub3A_1245 : f32 to vector<16xf32>
      %sub3A_1247 = arith.subf %sub3A_1246, %mul3A_1239 : vector<16xf32>
      %mul3A_1248 = arith.mulf %sub3A_1247, %div3A_636 : vector<16xf32>
      %sub3A_1249 = arith.constant 1.000000e+00 : f32
      %sub3A_1250 = vector.broadcast %sub3A_1249 : f32 to vector<16xf32>
      %sub3A_1251 = arith.subf %sub3A_1250, %mul3A_1248 : vector<16xf32>
      %mul3A_1252 = arith.mulf %sub3A_1244, %sub3A_1251 : vector<16xf32>
      %add3A_1253 = arith.addf %mul3A_1241, %mul3A_1252 : vector<16xf32>
      %eq3A_1254 = arith.constant 0.000000e+00 : f32
      %eq3A_1255 = vector.broadcast %eq3A_1254 : f32 to vector<16xf32>
      %eq3A_1256 = arith.cmpf oeq, %get3A_1235, %eq3A_1255 : vector<16xf32>
      %select_n3A_1257 = arith.select %eq3A_1256, %add3A_1253, %mul3A_1239 : vector<16xi1>, vector<16xf32>
      %get3A_1258 = arith.constant 256 : index
      %get3A_1259 = tpu.vector_load %arg9[%get3A_1258] {strides = array<i32>} : memref<320xf32, #tpu.memory_space<vmem>>, vector<16xf32>,
      %gt3A_1260 = arith.cmpf ogt, %select_n3A_1257, %get3A_1259 : vector<16xf32>
      %convert_element_type3A_1261 = arith.extui %gt3A_1260 : vector<16xi1> to vector<16xi32>
      %convert_element_type3A_1262 = arith.sitofp %convert_element_type3A_1261 : vector<16xi32> to vector<16xf32>
      %add3A_1263 = arith.addf %get3A_1235, %convert_element_type3A_1262 : vector<16xf32>
      %swap3A_1264 = arith.constant 256 : index
      %swap3A_1265 = tpu.vector_load %arg10[%swap3A_1264] {strides = array<i32>} : memref<320xf32, #tpu.memory_space<vmem>>, vector<16xf32>,
      tpu.vector_store %arg10[%swap3A_1264], %add3A_1263 {strides = array<i32>} : memref<320xf32, #tpu.memory_space<vmem>>, vector<16xf32>,
      %swap3A_1266 = arith.constant 256 : index
      %swap3A_1267 = tpu.vector_load %arg11[%swap3A_1266] {strides = array<i32>} : memref<320xf32, #tpu.memory_space<vmem>>, vector<16xf32>,
      tpu.vector_store %arg11[%swap3A_1266], %select_n3A_1257 {strides = array<i32>} : memref<320xf32, #tpu.memory_space<vmem>>, vector<16xf32>,
      %get3A_1268 = arith.constant 272 : index
      %get3A_1269 = tpu.vector_load %arg7[%get3A_1268] {strides = array<i32>} : memref<320xf32, #tpu.memory_space<vmem>>, vector<16xf32>,
      %div3A_1270 = arith.divf %get3A_1269, %max3A_225 : vector<16xf32>
      %get3A_1271 = arith.constant 272 : index
      %get3A_1272 = tpu.vector_load %arg8[%get3A_1271] {strides = array<i32>} : memref<320xf32, #tpu.memory_space<vmem>>, vector<16xf32>,
      %sub3A_1273 = arith.constant 1.000000e+00 : f32
      %sub3A_1274 = vector.broadcast %sub3A_1273 : f32 to vector<16xf32>
      %sub3A_1275 = arith.subf %sub3A_1274, %get3A_1272 : vector<16xf32>
      %mul3A_1276 = arith.mulf %div3A_1270, %sub3A_1275 : vector<16xf32>
      %mul3A_1277 = arith.mulf %convert_element_type3A_640, %mul3A_1276 : vector<16xf32>
      %mul3A_1278 = arith.mulf %mul3A_1277, %div3A_629 : vector<16xf32>
      %sub3A_1279 = arith.constant 1.000000e+00 : f32
      %sub3A_1280 = vector.broadcast %sub3A_1279 : f32 to vector<16xf32>
      %sub3A_1281 = arith.subf %sub3A_1280, %convert_element_type3A_640 : vector<16xf32>
      %sub3A_1282 = arith.constant 1.000000e+00 : f32
      %sub3A_1283 = vector.broadcast %sub3A_1282 : f32 to vector<16xf32>
      %sub3A_1284 = arith.subf %sub3A_1283, %mul3A_1276 : vector<16xf32>
      %mul3A_1285 = arith.mulf %sub3A_1284, %div3A_636 : vector<16xf32>
      %sub3A_1286 = arith.constant 1.000000e+00 : f32
      %sub3A_1287 = vector.broadcast %sub3A_1286 : f32 to vector<16xf32>
      %sub3A_1288 = arith.subf %sub3A_1287, %mul3A_1285 : vector<16xf32>
      %mul3A_1289 = arith.mulf %sub3A_1281, %sub3A_1288 : vector<16xf32>
      %add3A_1290 = arith.addf %mul3A_1278, %mul3A_1289 : vector<16xf32>
      %eq3A_1291 = arith.constant 0.000000e+00 : f32
      %eq3A_1292 = vector.broadcast %eq3A_1291 : f32 to vector<16xf32>
      %eq3A_1293 = arith.cmpf oeq, %get3A_1272, %eq3A_1292 : vector<16xf32>
      %select_n3A_1294 = arith.select %eq3A_1293, %add3A_1290, %mul3A_1276 : vector<16xi1>, vector<16xf32>
      %get3A_1295 = arith.constant 272 : index
      %get3A_1296 = tpu.vector_load %arg9[%get3A_1295] {strides = array<i32>} : memref<320xf32, #tpu.memory_space<vmem>>, vector<16xf32>,
      %gt3A_1297 = arith.cmpf ogt, %select_n3A_1294, %get3A_1296 : vector<16xf32>
      %convert_element_type3A_1298 = arith.extui %gt3A_1297 : vector<16xi1> to vector<16xi32>
      %convert_element_type3A_1299 = arith.sitofp %convert_element_type3A_1298 : vector<16xi32> to vector<16xf32>
      %add3A_1300 = arith.addf %get3A_1272, %convert_element_type3A_1299 : vector<16xf32>
      %swap3A_1301 = arith.constant 272 : index
      %swap3A_1302 = tpu.vector_load %arg10[%swap3A_1301] {strides = array<i32>} : memref<320xf32, #tpu.memory_space<vmem>>, vector<16xf32>,
      tpu.vector_store %arg10[%swap3A_1301], %add3A_1300 {strides = array<i32>} : memref<320xf32, #tpu.memory_space<vmem>>, vector<16xf32>,
      %swap3A_1303 = arith.constant 272 : index
      %swap3A_1304 = tpu.vector_load %arg11[%swap3A_1303] {strides = array<i32>} : memref<320xf32, #tpu.memory_space<vmem>>, vector<16xf32>,
      tpu.vector_store %arg11[%swap3A_1303], %select_n3A_1294 {strides = array<i32>} : memref<320xf32, #tpu.memory_space<vmem>>, vector<16xf32>,
      %get3A_1305 = arith.constant 288 : index
      %get3A_1306 = tpu.vector_load %arg7[%get3A_1305] {strides = array<i32>} : memref<320xf32, #tpu.memory_space<vmem>>, vector<16xf32>,
      %div3A_1307 = arith.divf %get3A_1306, %max3A_225 : vector<16xf32>
      %get3A_1308 = arith.constant 288 : index
      %get3A_1309 = tpu.vector_load %arg8[%get3A_1308] {strides = array<i32>} : memref<320xf32, #tpu.memory_space<vmem>>, vector<16xf32>,
      %sub3A_1310 = arith.constant 1.000000e+00 : f32
      %sub3A_1311 = vector.broadcast %sub3A_1310 : f32 to vector<16xf32>
      %sub3A_1312 = arith.subf %sub3A_1311, %get3A_1309 : vector<16xf32>
      %mul3A_1313 = arith.mulf %div3A_1307, %sub3A_1312 : vector<16xf32>
      %mul3A_1314 = arith.mulf %convert_element_type3A_640, %mul3A_1313 : vector<16xf32>
      %mul3A_1315 = arith.mulf %mul3A_1314, %div3A_629 : vector<16xf32>
      %sub3A_1316 = arith.constant 1.000000e+00 : f32
      %sub3A_1317 = vector.broadcast %sub3A_1316 : f32 to vector<16xf32>
      %sub3A_1318 = arith.subf %sub3A_1317, %convert_element_type3A_640 : vector<16xf32>
      %sub3A_1319 = arith.constant 1.000000e+00 : f32
      %sub3A_1320 = vector.broadcast %sub3A_1319 : f32 to vector<16xf32>
      %sub3A_1321 = arith.subf %sub3A_1320, %mul3A_1313 : vector<16xf32>
      %mul3A_1322 = arith.mulf %sub3A_1321, %div3A_636 : vector<16xf32>
      %sub3A_1323 = arith.constant 1.000000e+00 : f32
      %sub3A_1324 = vector.broadcast %sub3A_1323 : f32 to vector<16xf32>
      %sub3A_1325 = arith.subf %sub3A_1324, %mul3A_1322 : vector<16xf32>
      %mul3A_1326 = arith.mulf %sub3A_1318, %sub3A_1325 : vector<16xf32>
      %add3A_1327 = arith.addf %mul3A_1315, %mul3A_1326 : vector<16xf32>
      %eq3A_1328 = arith.constant 0.000000e+00 : f32
      %eq3A_1329 = vector.broadcast %eq3A_1328 : f32 to vector<16xf32>
      %eq3A_1330 = arith.cmpf oeq, %get3A_1309, %eq3A_1329 : vector<16xf32>
      %select_n3A_1331 = arith.select %eq3A_1330, %add3A_1327, %mul3A_1313 : vector<16xi1>, vector<16xf32>
      %get3A_1332 = arith.constant 288 : index
      %get3A_1333 = tpu.vector_load %arg9[%get3A_1332] {strides = array<i32>} : memref<320xf32, #tpu.memory_space<vmem>>, vector<16xf32>,
      %gt3A_1334 = arith.cmpf ogt, %select_n3A_1331, %get3A_1333 : vector<16xf32>
      %convert_element_type3A_1335 = arith.extui %gt3A_1334 : vector<16xi1> to vector<16xi32>
      %convert_element_type3A_1336 = arith.sitofp %convert_element_type3A_1335 : vector<16xi32> to vector<16xf32>
      %add3A_1337 = arith.addf %get3A_1309, %convert_element_type3A_1336 : vector<16xf32>
      %swap3A_1338 = arith.constant 288 : index
      %swap3A_1339 = tpu.vector_load %arg10[%swap3A_1338] {strides = array<i32>} : memref<320xf32, #tpu.memory_space<vmem>>, vector<16xf32>,
      tpu.vector_store %arg10[%swap3A_1338], %add3A_1337 {strides = array<i32>} : memref<320xf32, #tpu.memory_space<vmem>>, vector<16xf32>,
      %swap3A_1340 = arith.constant 288 : index
      %swap3A_1341 = tpu.vector_load %arg11[%swap3A_1340] {strides = array<i32>} : memref<320xf32, #tpu.memory_space<vmem>>, vector<16xf32>,
      tpu.vector_store %arg11[%swap3A_1340], %select_n3A_1331 {strides = array<i32>} : memref<320xf32, #tpu.memory_space<vmem>>, vector<16xf32>,
      %get3A_1342 = arith.constant 304 : index
      %get3A_1343 = tpu.vector_load %arg7[%get3A_1342] {strides = array<i32>} : memref<320xf32, #tpu.memory_space<vmem>>, vector<16xf32>,
      %div3A_1344 = arith.divf %get3A_1343, %max3A_225 : vector<16xf32>
      %get3A_1345 = arith.constant 304 : index
      %get3A_1346 = tpu.vector_load %arg8[%get3A_1345] {strides = array<i32>} : memref<320xf32, #tpu.memory_space<vmem>>, vector<16xf32>,
      %sub3A_1347 = arith.constant 1.000000e+00 : f32
      %sub3A_1348 = vector.broadcast %sub3A_1347 : f32 to vector<16xf32>
      %sub3A_1349 = arith.subf %sub3A_1348, %get3A_1346 : vector<16xf32>
      %mul3A_1350 = arith.mulf %div3A_1344, %sub3A_1349 : vector<16xf32>
      %mul3A_1351 = arith.mulf %convert_element_type3A_640, %mul3A_1350 : vector<16xf32>
      %mul3A_1352 = arith.mulf %mul3A_1351, %div3A_629 : vector<16xf32>
      %sub3A_1353 = arith.constant 1.000000e+00 : f32
      %sub3A_1354 = vector.broadcast %sub3A_1353 : f32 to vector<16xf32>
      %sub3A_1355 = arith.subf %sub3A_1354, %convert_element_type3A_640 : vector<16xf32>
      %sub3A_1356 = arith.constant 1.000000e+00 : f32
      %sub3A_1357 = vector.broadcast %sub3A_1356 : f32 to vector<16xf32>
      %sub3A_1358 = arith.subf %sub3A_1357, %mul3A_1350 : vector<16xf32>
      %mul3A_1359 = arith.mulf %sub3A_1358, %div3A_636 : vector<16xf32>
      %sub3A_1360 = arith.constant 1.000000e+00 : f32
      %sub3A_1361 = vector.broadcast %sub3A_1360 : f32 to vector<16xf32>
      %sub3A_1362 = arith.subf %sub3A_1361, %mul3A_1359 : vector<16xf32>
      %mul3A_1363 = arith.mulf %sub3A_1355, %sub3A_1362 : vector<16xf32>
      %add3A_1364 = arith.addf %mul3A_1352, %mul3A_1363 : vector<16xf32>
      %eq3A_1365 = arith.constant 0.000000e+00 : f32
      %eq3A_1366 = vector.broadcast %eq3A_1365 : f32 to vector<16xf32>
      %eq3A_1367 = arith.cmpf oeq, %get3A_1346, %eq3A_1366 : vector<16xf32>
      %select_n3A_1368 = arith.select %eq3A_1367, %add3A_1364, %mul3A_1350 : vector<16xi1>, vector<16xf32>
      %get3A_1369 = arith.constant 304 : index
      %get3A_1370 = tpu.vector_load %arg9[%get3A_1369] {strides = array<i32>} : memref<320xf32, #tpu.memory_space<vmem>>, vector<16xf32>,
      %gt3A_1371 = arith.cmpf ogt, %select_n3A_1368, %get3A_1370 : vector<16xf32>
      %convert_element_type3A_1372 = arith.extui %gt3A_1371 : vector<16xi1> to vector<16xi32>
      %convert_element_type3A_1373 = arith.sitofp %convert_element_type3A_1372 : vector<16xi32> to vector<16xf32>
      %add3A_1374 = arith.addf %get3A_1346, %convert_element_type3A_1373 : vector<16xf32>
      %swap3A_1375 = arith.constant 304 : index
      %swap3A_1376 = tpu.vector_load %arg10[%swap3A_1375] {strides = array<i32>} : memref<320xf32, #tpu.memory_space<vmem>>, vector<16xf32>,
      tpu.vector_store %arg10[%swap3A_1375], %add3A_1374 {strides = array<i32>} : memref<320xf32, #tpu.memory_space<vmem>>, vector<16xf32>,
      %swap3A_1377 = arith.constant 304 : index
      %swap3A_1378 = tpu.vector_load %arg11[%swap3A_1377] {strides = array<i32>} : memref<320xf32, #tpu.memory_space<vmem>>, vector<16xf32>,
      tpu.vector_store %arg11[%swap3A_1377], %select_n3A_1368 {strides = array<i32>} : memref<320xf32, #tpu.memory_space<vmem>>, vector<16xf32>,
      %dma_start3A_1379 = arith.constant 0 : i32
      %dma_start3A_1380 = tpu.memref_slice %arg5[%add3A, %dma_start3A_1379] : memref<16x320xf32, #tpu.memory_space<hbm>> -> memref<1x320xf32, #tpu.memory_space<hbm>>
      %dma_start3A_1381 = tpu.memref_squeeze %dma_start3A_1380 : memref<1x320xf32, #tpu.memory_space<hbm>> -> memref<320xf32, #tpu.memory_space<hbm>>
      %dma_start3A_1382 = arith.constant 0 : i32
      %dma_start3A_1383 = tpu.memref_slice %arg5[%add3A, %dma_start3A_1382] : memref<16x320xf32, #tpu.memory_space<hbm>> -> memref<1x320xf32, #tpu.memory_space<hbm>>
      %dma_start3A_1384 = tpu.memref_squeeze %dma_start3A_1383 : memref<1x320xf32, #tpu.memory_space<hbm>> -> memref<320xf32, #tpu.memory_space<hbm>>
      tpu.enqueue_dma source(%arg10 : memref<320xf32, #tpu.memory_space<vmem>>) target(%dma_start3A_1384 : memref<320xf32, #tpu.memory_space<hbm>>) target_semaphore(%arg13 : memref<!tpu.dma_semaphore, #tpu.memory_space<semaphore_mem>>)
      %dma_start3A_1385 = arith.constant 0 : i32
      %dma_start3A_1386 = tpu.memref_slice %arg6[%add3A, %dma_start3A_1385] : memref<16x320xf32, #tpu.memory_space<hbm>> -> memref<1x320xf32, #tpu.memory_space<hbm>>
      %dma_start3A_1387 = tpu.memref_squeeze %dma_start3A_1386 : memref<1x320xf32, #tpu.memory_space<hbm>> -> memref<320xf32, #tpu.memory_space<hbm>>
      %dma_start3A_1388 = arith.constant 0 : i32
      %dma_start3A_1389 = tpu.memref_slice %arg6[%add3A, %dma_start3A_1388] : memref<16x320xf32, #tpu.memory_space<hbm>> -> memref<1x320xf32, #tpu.memory_space<hbm>>
      %dma_start3A_1390 = tpu.memref_squeeze %dma_start3A_1389 : memref<1x320xf32, #tpu.memory_space<hbm>> -> memref<320xf32, #tpu.memory_space<hbm>>
      tpu.enqueue_dma source(%arg11 : memref<320xf32, #tpu.memory_space<vmem>>) target(%dma_start3A_1390 : memref<320xf32, #tpu.memory_space<hbm>>) target_semaphore(%arg14 : memref<!tpu.dma_semaphore, #tpu.memory_space<semaphore_mem>>)
      %dma_wait3A_1391 = arith.constant 0 : i32
      %dma_wait3A_1392 = tpu.memref_slice %arg5[%add3A, %dma_wait3A_1391] : memref<16x320xf32, #tpu.memory_space<hbm>> -> memref<1x320xf32, #tpu.memory_space<hbm>>
      %dma_wait3A_1393 = tpu.memref_squeeze %dma_wait3A_1392 : memref<1x320xf32, #tpu.memory_space<hbm>> -> memref<320xf32, #tpu.memory_space<hbm>>
      %dma_wait3A_1394 = arith.constant 0 : i32
      %dma_wait3A_1395 = tpu.memref_slice %arg5[%add3A, %dma_wait3A_1394] : memref<16x320xf32, #tpu.memory_space<hbm>> -> memref<1x320xf32, #tpu.memory_space<hbm>>
      %dma_wait3A_1396 = tpu.memref_squeeze %dma_wait3A_1395 : memref<1x320xf32, #tpu.memory_space<hbm>> -> memref<320xf32, #tpu.memory_space<hbm>>
      tpu.wait_dma2 semaphore(%arg13 : memref<!tpu.dma_semaphore, #tpu.memory_space<semaphore_mem>>) src(%arg10 : memref<320xf32, #tpu.memory_space<vmem>>) dst(%dma_wait3A_1396 : memref<320xf32, #tpu.memory_space<hbm>>)
      %dma_wait3A_1397 = arith.constant 0 : i32
      %dma_wait3A_1398 = tpu.memref_slice %arg6[%add3A, %dma_wait3A_1397] : memref<16x320xf32, #tpu.memory_space<hbm>> -> memref<1x320xf32, #tpu.memory_space<hbm>>
      %dma_wait3A_1399 = tpu.memref_squeeze %dma_wait3A_1398 : memref<1x320xf32, #tpu.memory_space<hbm>> -> memref<320xf32, #tpu.memory_space<hbm>>
      %dma_wait3A_1400 = arith.constant 0 : i32
      %dma_wait3A_1401 = tpu.memref_slice %arg6[%add3A, %dma_wait3A_1400] : memref<16x320xf32, #tpu.memory_space<hbm>> -> memref<1x320xf32, #tpu.memory_space<hbm>>
      %dma_wait3A_1402 = tpu.memref_squeeze %dma_wait3A_1401 : memref<1x320xf32, #tpu.memory_space<hbm>> -> memref<320xf32, #tpu.memory_space<hbm>>
      tpu.wait_dma2 semaphore(%arg14 : memref<!tpu.dma_semaphore, #tpu.memory_space<semaphore_mem>>) src(%arg11 : memref<320xf32, #tpu.memory_space<vmem>>) dst(%dma_wait3A_1402 : memref<320xf32, #tpu.memory_space<hbm>>)
    } else {
    }
    return
  }
}

module attributes {stable_mosaic.version = 14 : i64} {
  func.func @_apply_body(%arg0: i32, %arg1: memref<16x320xf32, #tpu.memory_space<vmem>>, %arg2: memref<16x320xf32, #tpu.memory_space<vmem>>, %arg3: memref<1x8x320x2x320xf32, #tpu.memory_space<vmem>>, %arg4: memref<1x8x320x2x320xf32, #tpu.memory_space<vmem>>, %arg5: memref<1x320x1x320xf32, #tpu.memory_space<vmem>>, %arg6: memref<1x320x1x320xf32, #tpu.memory_space<vmem>>) attributes {dimension_semantics = [#tpu.dimension_semantics<arbitrary>], iteration_bounds = array<i64: 16>, scalar_prefetch = 0 : i64, scratch_operands = 0 : i64, tpu.core_type = #tpu.core_type<tc>, window_params = [{pipeline_mode = #tpu.pipeline_mode<synchronous>, transform_indices = @transform_0, window_bounds = array<i64: 16, 320>}, {pipeline_mode = #tpu.pipeline_mode<synchronous>, transform_indices = @transform_1, window_bounds = array<i64: 16, 320>}, {transform_indices = @transform_2, window_bounds = array<i64: 1, 8, 320, 2, 320>}, {transform_indices = @transform_3, window_bounds = array<i64: 1, 8, 320, 2, 320>}, {transform_indices = @transform_4, window_bounds = array<i64: 1, 320, 1, 320>}, {transform_indices = @transform_5, window_bounds = array<i64: 1, 320, 1, 320>}]} {
    %get3A = arith.index_cast %arg0 : i32 to index
    %get3A_0 = arith.constant 0 : index
    %get3A_1 = vector.load %arg1[%get3A, %get3A_0] : memref<16x320xf32, #tpu.memory_space<vmem>>, vector<1x320xf32>
    %get3A_2 = arith.constant 0 : index
    %get3A_3 = arith.constant 0 : index
    %get3A_4 = arith.constant 0 : index
    %get3A_5 = arith.constant 0 : index
    %get3A_6 = arith.constant 0 : index
    %get3A_7 = vector.load %arg3[%get3A_2, %get3A_3, %get3A_4, %get3A_5, %get3A_6] : memref<1x8x320x2x320xf32, #tpu.memory_space<vmem>>, vector<1x8x320x2x320xf32>
    %broadcast_in_dim3A = vector.shape_cast %get3A_1 : vector<1x320xf32> to vector<1x1x1x1x320xf32>
    %mul3A = vector.broadcast %broadcast_in_dim3A : vector<1x1x1x1x320xf32> to vector<1x8x320x2x320xf32>
    %mul3A_8 = arith.mulf %get3A_7, %mul3A : vector<1x8x320x2x320xf32>
    %swap3A = arith.constant 0 : index
    %swap3A_9 = arith.constant 0 : index
    %swap3A_10 = arith.constant 0 : index
    %swap3A_11 = arith.constant 0 : index
    %swap3A_12 = arith.constant 0 : index
    %swap3A_13 = vector.load %arg4[%swap3A, %swap3A_9, %swap3A_10, %swap3A_11, %swap3A_12] : memref<1x8x320x2x320xf32, #tpu.memory_space<vmem>>, vector<1x8x320x2x320xf32>
    tpu.vector_store %arg4[%swap3A, %swap3A_9, %swap3A_10, %swap3A_11, %swap3A_12], %mul3A_8 {strides = array<i32>} : memref<1x8x320x2x320xf32, #tpu.memory_space<vmem>>, vector<1x8x320x2x320xf32>,
    %broadcast_in_dim3A_14 = vector.shape_cast %get3A_1 : vector<1x320xf32> to vector<1x320xf32>
    %broadcast_in_dim3A_15 = vector.broadcast %broadcast_in_dim3A_14 : vector<1x320xf32> to vector<320x320xf32>
    %swap3A_16 = arith.constant 0 : index
    %swap3A_17 = arith.constant 0 : index
    %swap3A_18 = arith.constant 0 : index
    %swap3A_19 = arith.constant 0 : index
    %swap3A_20 = vector.load %arg5[%swap3A_16, %swap3A_17, %swap3A_18, %swap3A_19] : memref<1x320x1x320xf32, #tpu.memory_space<vmem>>, vector<1x320x1x320xf32>
    %swap3A_21 = vector.shape_cast %swap3A_20 : vector<1x320x1x320xf32> to vector<320x320xf32>
    %swap3A_22 = vector.shape_cast %broadcast_in_dim3A_15 : vector<320x320xf32> to vector<1x320x1x320xf32>
    tpu.vector_store %arg5[%swap3A_16, %swap3A_17, %swap3A_18, %swap3A_19], %swap3A_22 {strides = array<i32>} : memref<1x320x1x320xf32, #tpu.memory_space<vmem>>, vector<1x320x1x320xf32>,
    %get3A_23 = arith.index_cast %arg0 : i32 to index
    %get3A_24 = arith.constant 0 : index
    %get3A_25 = vector.load %arg2[%get3A_23, %get3A_24] : memref<16x320xf32, #tpu.memory_space<vmem>>, vector<1x320xf32>
    %broadcast_in_dim3A_26 = vector.shape_cast %get3A_25 : vector<1x320xf32> to vector<1x320xf32>
    %broadcast_in_dim3A_27 = vector.broadcast %broadcast_in_dim3A_26 : vector<1x320xf32> to vector<320x320xf32>
    %swap3A_28 = arith.constant 0 : index
    %swap3A_29 = arith.constant 0 : index
    %swap3A_30 = arith.constant 0 : index
    %swap3A_31 = arith.constant 0 : index
    %swap3A_32 = vector.load %arg6[%swap3A_28, %swap3A_29, %swap3A_30, %swap3A_31] : memref<1x320x1x320xf32, #tpu.memory_space<vmem>>, vector<1x320x1x320xf32>
    %swap3A_33 = vector.shape_cast %swap3A_32 : vector<1x320x1x320xf32> to vector<320x320xf32>
    %swap3A_34 = vector.shape_cast %broadcast_in_dim3A_27 : vector<320x320xf32> to vector<1x320x1x320xf32>
    tpu.vector_store %arg6[%swap3A_28, %swap3A_29, %swap3A_30, %swap3A_31], %swap3A_34 {strides = array<i32>} : memref<1x320x1x320xf32, #tpu.memory_space<vmem>>, vector<1x320x1x320xf32>,
    return
  }
  func.func @transform_0(%arg0: i32) -> (i32, i32) {
    %c0_i32 = arith.constant 0 : i32
    %c0_i32_0 = arith.constant 0 : i32
    %c0_i32_1 = arith.constant 0 : i32
    return %c0_i32, %c0_i32_0 : i32, i32
  }
  func.func @transform_1(%arg0: i32) -> (i32, i32) {
    %c0_i32 = arith.constant 0 : i32
    %c0_i32_0 = arith.constant 0 : i32
    %c0_i32_1 = arith.constant 0 : i32
    return %c0_i32, %c0_i32_0 : i32, i32
  }
  func.func @transform_2(%arg0: i32) -> (i32, i32, i32, i32, i32) {
    %c0_i32 = arith.constant 0 : i32
    %c0_i32_0 = arith.constant 0 : i32
    %c0_i32_1 = arith.constant 0 : i32
    %c0_i32_2 = arith.constant 0 : i32
    %c0_i32_3 = arith.constant 0 : i32
    return %arg0, %c0_i32, %c0_i32_0, %c0_i32_1, %c0_i32_2 : i32, i32, i32, i32, i32
  }
  func.func @transform_3(%arg0: i32) -> (i32, i32, i32, i32, i32) {
    %c0_i32 = arith.constant 0 : i32
    %c0_i32_0 = arith.constant 0 : i32
    %c0_i32_1 = arith.constant 0 : i32
    %c0_i32_2 = arith.constant 0 : i32
    %c0_i32_3 = arith.constant 0 : i32
    return %arg0, %c0_i32, %c0_i32_0, %c0_i32_1, %c0_i32_2 : i32, i32, i32, i32, i32
  }
  func.func @transform_4(%arg0: i32) -> (i32, i32, i32, i32) {
    %c0_i32 = arith.constant 0 : i32
    %c0_i32_0 = arith.constant 0 : i32
    %c0_i32_1 = arith.constant 0 : i32
    %c0_i32_2 = arith.constant 0 : i32
    return %arg0, %c0_i32, %c0_i32_0, %c0_i32_1 : i32, i32, i32, i32
  }
  func.func @transform_5(%arg0: i32) -> (i32, i32, i32, i32) {
    %c0_i32 = arith.constant 0 : i32
    %c0_i32_0 = arith.constant 0 : i32
    %c0_i32_1 = arith.constant 0 : i32
    %c0_i32_2 = arith.constant 0 : i32
    return %arg0, %c0_i32, %c0_i32_0, %c0_i32_1 : i32, i32, i32, i32
  }
}

module attributes {stable_mosaic.version = 14 : i64} {
  func.func @_softplus_body(%arg0: i32, %arg1: memref<1x320xf32, #tpu.memory_space<vmem>>, %arg2: memref<16x1x1x1x320xf32, #tpu.memory_space<vmem>>, %arg3: memref<320xf32, #tpu.memory_space<vmem>>, %arg4: memref<16x320xf32, #tpu.memory_space<vmem>>) attributes {dimension_semantics = [#tpu.dimension_semantics<arbitrary>], iteration_bounds = array<i64: 1>, scalar_prefetch = 0 : i64, scratch_operands = 0 : i64, tpu.core_type = #tpu.core_type<tc>, window_params = [{pipeline_mode = #tpu.pipeline_mode<synchronous>, transform_indices = @transform_0, window_bounds = array<i64: 1, 320>}, {transform_indices = @transform_1, window_bounds = array<i64: 16, 1, 1, 1, 320>}, {pipeline_mode = #tpu.pipeline_mode<synchronous>, transform_indices = @transform_2, window_bounds = array<i64: 320>}, {pipeline_mode = #tpu.pipeline_mode<synchronous>, transform_indices = @transform_3, window_bounds = array<i64: 16, 320>}]} {
    %get3A = arith.constant 0 : index
    %get3A_0 = arith.constant 0 : index
    %get3A_1 = vector.load %arg1[%get3A, %get3A_0] : memref<1x320xf32, #tpu.memory_space<vmem>>, vector<1x320xf32>
    %mul3A = arith.constant 1.000000e+01 : f32
    %mul3A_2 = vector.broadcast %mul3A : f32 to vector<1x320xf32>
    %mul3A_3 = arith.mulf %mul3A_2, %get3A_1 : vector<1x320xf32>
    %custom_jvp_call3A = arith.constant 0.000000e+00 : f32
    %max3A = vector.broadcast %custom_jvp_call3A : f32 to vector<1x320xf32>
    %max3A_4 = arith.maximumf %mul3A_3, %max3A : vector<1x320xf32>
    %sub3A = vector.broadcast %custom_jvp_call3A : f32 to vector<1x320xf32>
    %sub3A_5 = arith.subf %mul3A_3, %sub3A : vector<1x320xf32>
    %ne3A = arith.cmpf one, %sub3A_5, %sub3A_5 : vector<1x320xf32>
    %add3A = vector.broadcast %custom_jvp_call3A : f32 to vector<1x320xf32>
    %add3A_6 = arith.addf %mul3A_3, %add3A : vector<1x320xf32>
    %abs3A = math.absf %sub3A_5 : vector<1x320xf32>
    %neg3A = arith.constant 0.000000e+00 : f32
    %neg3A_7 = vector.broadcast %neg3A : f32 to vector<1x320xf32>
    %neg3A_8 = arith.subf %neg3A_7, %abs3A : vector<1x320xf32>
    %exp3A = math.exp %neg3A_8 : vector<1x320xf32>
    %log1p3A = math.log1p %exp3A : vector<1x320xf32>
    %add3A_9 = arith.addf %max3A_4, %log1p3A : vector<1x320xf32>
    %select_n3A = arith.select %ne3A, %add3A_6, %add3A_9 : vector<1x320xi1>, vector<1x320xf32>
    %div3A = arith.constant 1.000000e+01 : f32
    %div3A_10 = vector.broadcast %div3A : f32 to vector<1x320xf32>
    %div3A_11 = arith.divf %select_n3A, %div3A_10 : vector<1x320xf32>
    %squeeze3A = vector.shape_cast %div3A_11 : vector<1x320xf32> to vector<320xf32>
    %swap3A = arith.constant 0 : index
    %swap3A_12 = vector.load %arg3[%swap3A] : memref<320xf32, #tpu.memory_space<vmem>>, vector<320xf32>
    tpu.vector_store %arg3[%swap3A], %squeeze3A {strides = array<i32>} : memref<320xf32, #tpu.memory_space<vmem>>, vector<320xf32>,
    %get3A_13 = arith.constant 0 : index
    %get3A_14 = arith.constant 0 : index
    %get3A_15 = arith.constant 0 : index
    %get3A_16 = arith.constant 0 : index
    %get3A_17 = arith.constant 0 : index
    %get3A_18 = vector.load %arg2[%get3A_13, %get3A_14, %get3A_15, %get3A_16, %get3A_17] : memref<16x1x1x1x320xf32, #tpu.memory_space<vmem>>, vector<16x1x1x1x320xf32>
    %get3A_19 = vector.shape_cast %get3A_18 : vector<16x1x1x1x320xf32> to vector<16x320xf32>
    %swap3A_20 = arith.constant 0 : index
    %swap3A_21 = arith.constant 0 : index
    %swap3A_22 = vector.load %arg4[%swap3A_20, %swap3A_21] : memref<16x320xf32, #tpu.memory_space<vmem>>, vector<16x320xf32>
    tpu.vector_store %arg4[%swap3A_20, %swap3A_21], %get3A_19 {strides = array<i32>} : memref<16x320xf32, #tpu.memory_space<vmem>>, vector<16x320xf32>,
    return
  }
  func.func @transform_0(%arg0: i32) -> (i32, i32) {
    %c0_i32 = arith.constant 0 : i32
    %c0_i32_0 = arith.constant 0 : i32
    %c0_i32_1 = arith.constant 0 : i32
    return %c0_i32, %c0_i32_0 : i32, i32
  }
  func.func @transform_1(%arg0: i32) -> (i32, i32, i32, i32, i32) {
    %c0_i32 = arith.constant 0 : i32
    %c0_i32_0 = arith.constant 0 : i32
    %c0_i32_1 = arith.constant 0 : i32
    %c0_i32_2 = arith.constant 0 : i32
    %c0_i32_3 = arith.constant 0 : i32
    %c0_i32_4 = arith.constant 0 : i32
    return %c0_i32, %c0_i32_0, %c0_i32_1, %c0_i32_2, %c0_i32_3 : i32, i32, i32, i32, i32
  }
  func.func @transform_2(%arg0: i32) -> i32 {
    %c0_i32 = arith.constant 0 : i32
    %c0_i32_0 = arith.constant 0 : i32
    return %c0_i32 : i32
  }
  func.func @transform_3(%arg0: i32) -> (i32, i32) {
    %c0_i32 = arith.constant 0 : i32
    %c0_i32_0 = arith.constant 0 : i32
    %c0_i32_1 = arith.constant 0 : i32
    return %c0_i32, %c0_i32_0 : i32, i32
  }
}

</mosaic_0001>

<sc_bundles>
// kernel: kernel.5.cloned.1.call-start
scs
__scs_entry_jumppad:
0x0: {  	(pc) =	sbr.rel $0x88, $3  }
0x1: {  	(tag) =	ssettag $0x0;
	lr =	simm.s32 $0x1  }
0x2: {  	[smem:$0x3F9D] =	sst lr;
	_ =	strace $0xD0000000  }
0x3: {  	_ = 	snop  }
0x4: {  	_ = 	snop  }
0x5: {  	_ = 	snop  }
0x6: {  	_ = 	snop  }
0x7: {  	_ = 	snop  }
__scs_overlays_trampoline_lowered:
0x8: {  	[smem:$0x3FAC] =	sst s0  }
0x9: {  	[smem:$0x3FAD] =	sst s1  }
0xa: {  	[smem:$0x3FAE] =	sst s2  }
0xb: {  	[smem:$0x3FAF] =	sst s3  }
0xc: {  	[smem:$0x3FB0] =	sst s4  }
0xd: {  	[smem:$0x3FB1] =	sst s5  }
0xe: {  	[smem:$0x3FB2] =	sst s6  }
0xf: {  	[smem:$0x3FB3] =	sst s7  }
0x10: {  	[smem:$0x3FB4] =	sst s8  }
0x11: {  	[smem:$0x3FB5] =	sst s9;
	s0 =	simm.s32 @!p0 $0x0  }
0x12: {  	s1 =	sld [smem:$0x3F9B];
	s0 =	simm.s32 @p0 $0x1  }
0x13: {  	[smem:$0x3FB6] =	sst s0;
	s0 =	simm.s32 @!p1 $0x0  }
0x14: {  	s2 =	sld [smem:$0x3F9A];
	s0 =	simm.s32 @p1 $0x1  }
0x15: {  	[smem:$0x3FB7] =	sst s0;
	s0 =	simm.s32 @!p2 $0x0  }
0x16: {  	s3 =	sld [smem:$0x3FDB];
	s0 =	simm.s32 @p2 $0x1  }
0x17: {  	s4 =	simm.s32 $0x1BF5;
	[smem:$0x3FB9] =	sst s0  }
0x18: {  	s0 =	sld [smem:$0x3F9C];
	_ =	swait.ge [sflag:s4], $0x0  }
0x19: {  	s7 =	sld [smem:$0x3F9D]  }
0x1a: {  	s8 =	sadd.s32 $0xFFFFE003, lr  }
0x1b: {  	s9 =	sadd.s32 $0xFFFFFEF7, lr;
	s5 =	simm.s32 $0xFFFFFFFF;
	p2 =	slt.u32 s8, $0xFFFFF086  }
0x1c: {  	p1 =	slt.u32 s9, $0xF7A;
	s5 =	simm.s32 @!p2 $0x0  }
0x1d: {  	s5 =	simm.s32 @p1 $0x1;
	p0 =	seq.s32 s7, s2  }
0x1e: {  	s7 =	smul.u32 @!p0 $0xF7A, s2;
	p2 =	seq.s32 @!p0 s5, $0x0  }
0x1f: {  	s9 =	smul.u32 $0xF7A, s1;
	s8 =	simm.s32 @!p0 $0x1BF5;
	p2 =	por !p2, p0  }
0x20: {  	[sflag:s8] =	ssyncset.s32 @!p0 $0xFFFFF086;
	s6 =	sadd.s32 @!p0 s3, s7;
	s7 =	simm.s32 @!p0 $0x108  }
0x21: {  	s3 =	sadd.s32 s3, s9;
	s6 =	sadd.s32 @!p0 $0x88, s6;
	s7 =	simm.s32 @p2 $0x1082  }
0x22: {  	[simem:s7], [sflag:s8] =	dma.local @!p0 [hbm:s6], $0xF7A  }
0x23: {  	s9 =	sor.u32 $0xD0000000, s2;
	s6 =	simm.s32 $0x108;
	_ =	swait.ge @!p0 [sflag:s8], $0x0  }
0x24: {  	s3 =	sadd.s32 $0x88, s3;
	s6 =	simm.s32 @!p1 $0x1082;
	[sflag:s4] =	ssyncset.s32 $0xFFFFF086  }
0x25: {  	[simem:s6], [sflag:s4] =	dma.local [hbm:s3], $0xF7A  }
0x26: {  	[smem:$0x3F9D] =	sst s1;
	(tag) =	ssettag s2;
	_ =	strace s9  }
0x27: {  	s1 =	sld [smem:$0x3FAD]  }
0x28: {  	s2 =	sld [smem:$0x3FAE]  }
0x29: {  	s4 =	sld [smem:$0x3FB0]  }
0x2a: {  	p0 =	seq.s32 s5, $0x0;
	s5 =	sld [smem:$0x3FB1]  }
0x2b: {  	s6 =	sld [smem:$0x3FB2]  }
0x2c: {  	s7 =	sld [smem:$0x3FB3]  }
0x2d: {  	s3 =	simm.s32 $0x108;
	s8 =	sld [smem:$0x3FB4]  }
0x2e: {  	s3 =	simm.s32 @!p0 $0x1082;
	s9 =	sld [smem:$0x3FB5]  }
0x2f: {  	lr =	sadd.s32 s0, s3;
	s0 =	sld [smem:$0x3FAC]  }
0x30: {  	s3 =	sld [smem:$0x3FAF]  }
0x31: {  	[smem:$0x3FB8] =	sst s10  }
0x32: {  	s10 =	sld [smem:$0x3FB6];
	_ =	sdelay $0x3  }
0x33: {  	p0 =	seq.s32 s10, $0x1;
	s10 =	sld [smem:$0x3FB8];
	_ =	sdelay $0x3  }
0x34: {  	[smem:$0x3FB8] =	sst s10  }
0x35: {  	s10 =	sld [smem:$0x3FB7];
	_ =	sdelay $0x3  }
0x36: {  	p1 =	seq.s32 s10, $0x1;
	s10 =	sld [smem:$0x3FB8];
	_ =	sdelay $0x3  }
0x37: {  	[smem:$0x3FB8] =	sst s10  }
0x38: {  	s10 =	sld [smem:$0x3FB9]  }
0x39: {  	_ = 	snop;
	(pc) =	sbr.ind lr, $3  }
0x3a: {  	_ = 	snop  }
0x3b: {  	_ = 	snop  }
0x3c: {  	p2 =	seq.s32 s10, $0x1;
	s10 =	sld [smem:$0x3FB8]  }
0x3d: {  	_ =	shalt  }
0x3e: {  	_ =	shalt  }
0x3f: {  	_ =	shalt  }
0x40: {  	_ =	shalt  }
0x41: {  	_ =	shalt  }
0x42: {  	_ =	shalt  }
0x43: {  	_ =	shalt  }
0x44: {  	_ =	shalt  }
0x45: {  	_ =	shalt  }
0x46: {  	_ =	shalt  }
0x47: {  	_ =	shalt  }
0x48: {  	_ =	shalt  }
0x49: {  	_ =	shalt  }
0x4a: {  	_ =	shalt  }
0x4b: {  	_ =	shalt  }
0x4c: {  	_ =	shalt  }
0x4d: {  	_ =	shalt  }
0x4e: {  	_ =	shalt  }
0x4f: {  	_ =	shalt  }
0x50: {  	_ =	shalt  }
0x51: {  	_ =	shalt  }
0x52: {  	_ =	shalt  }
0x53: {  	_ =	shalt  }
0x54: {  	_ =	shalt  }
0x55: {  	_ =	shalt  }
0x56: {  	_ =	shalt  }
0x57: {  	_ =	shalt  }
0x58: {  	_ =	shalt  }
0x59: {  	_ =	shalt  }
0x5a: {  	_ =	shalt  }
0x5b: {  	_ =	shalt  }
0x5c: {  	_ =	shalt  }
0x5d: {  	_ =	shalt  }
0x5e: {  	_ =	shalt  }
0x5f: {  	_ =	shalt  }
0x60: {  	_ =	shalt  }
0x61: {  	_ =	shalt  }
0x62: {  	_ =	shalt  }
0x63: {  	_ =	shalt  }
0x64: {  	_ =	shalt  }
0x65: {  	_ =	shalt  }
0x66: {  	_ =	shalt  }
0x67: {  	_ =	shalt  }
0x68: {  	_ =	shalt  }
0x69: {  	_ =	shalt  }
0x6a: {  	_ =	shalt  }
0x6b: {  	_ =	shalt  }
0x6c: {  	_ =	shalt  }
0x6d: {  	_ =	shalt  }
0x6e: {  	_ =	shalt  }
0x6f: {  	_ =	shalt  }
0x70: {  	_ =	shalt  }
0x71: {  	_ =	shalt  }
0x72: {  	_ =	shalt  }
0x73: {  	_ =	shalt  }
0x74: {  	_ =	shalt  }
0x75: {  	_ =	shalt  }
0x76: {  	_ =	shalt  }
0x77: {  	_ =	shalt  }
0x78: {  	_ =	shalt  }
0x79: {  	_ =	shalt  }
0x7a: {  	_ =	shalt  }
0x7b: {  	_ =	shalt  }
0x7c: {  	_ =	shalt  }
0x7d: {  	_ =	shalt  }
0x7e: {  	_ =	shalt  }
0x7f: {  	_ =	shalt  }
0x80: {  	_ =	shalt  }
0x81: {  	_ =	shalt  }
0x82: {  	_ =	shalt  }
0x83: {  	_ =	shalt  }
0x84: {  	_ =	shalt  }
0x85: {  	_ =	shalt  }
0x86: {  	_ =	shalt  }
0x87: {  	_ =	shalt  }
.Lfunc_end0:
.L_simem_size_0:
called_computation_lowered:
.L_overlay_start_0:
0x88: {  	s2 =	sld [smem:$0x3FD9]  }
0x89: {  	s3 =	sld [smem:$0x3FFE];
	_ =	sdelay $0x1  }
0x8a: {  	s1 =	srdreg.scid  }
0x8b: {  	s0 =	sand.u32 $0x1, s1  }
0x8c: {  	s14 =	sshll.u32 s0, $0xA;
	s2 =	sadd.s32 s3, s2  }
0x8d: {  	s2 =	sadd.s32 s2, s14  }
0x8e: {  	[smem:$0x3FC4] =	sst s2  }
0x8f: {  	_ = 	snop  }
0x90: {  	s2 =	sld [smem:$0x3FD0];
	_ =	sdelay $0x2  }
0x91: {  	s4 =	simm.s32 $0xA;
	s5 =	simm.s32 $0x10;
	s15 =	sld [smem:$0x3FC6]  }
0x92: {  	[smem:s5], [sflag:s4] =	dma.local [hbm:s2], $0x1  }
0x93: {  	_ =	swait.eq [sflag:s4], $0x1  }
0x94: {  	[sflag:s4] =	ssyncset.done $0x0  }
0x95: {  	s16 =	sld [smem:$0x11];
	[sflag:s4] =	ssyncadd.s32 $0xFFFFFFFF  }
0x96: {  	s17 =	sld [smem:$0x13];
	(tm) =	ssettm $0x1  }
0x97: {  	s18 =	sld [smem:$0x3FFB];
	_ =	sdelay $0x3  }
0x98: {  	_ =	strace s18  }
0x99: {  	s5 =	sld [smem:$0x3FFC];
	_ =	sdelay $0x3  }
0x9a: {  	_ =	strace s5  }
0x9b: {  	s5 =	sld [smem:$0x3FFD];
	_ =	sdelay $0x3  }
0x9c: {  	_ =	strace s5  }
0x9d: {  	_ =	strace $0x8FFFFFFF  }
0x9e: {  	s19 =	sld [smem:$0x3FDB];
	_ =	sdelay $0x1  }
0x9f: {  	s6 =	simm.s32 $_scs_section_size  }
0xa0: {  	s7 =	simm.s32 $_size__tile_overlayer_lowered;
	s8 =	simm.s32 $_tile_overlayer_lowered  }
0xa1: {  	s22 =	simm.s32 $0x1BFF;
	s21 =	sshll.u32 s8, $0x1;
	s5 =	sadd.s32 s6, s19  }
0xa2: {  	s9 =	simm.s32 $0x0;
	s20 =	sshll.u32 s7, $0x1;
	s7 =	sadd.s32 s21, s5  }
0xa3: {  	[timem:s9], [sflag:s22] =	dma.local [hbm:s7], s20  }
0xa4: {  	_ =	swait.ge [sflag:s22], s20  }
0xa5: {  	s6 =	ssub.s32 $0x0, s20;
	[sflag:s22] =	ssyncset.done $0x0  }
0xa6: {  	[sflag:s22] =	ssyncadd.s32 s6;
	_ =	sdelay $0x1  }
0xa7: {  	s23 =	simm.s32 $0x1B8B  }
0xa8: {  	_ =	swait.ge [sflag:s23], $0x1  }
0xa9: {  	[sflag:s23] =	ssyncset.done $0x0  }
0xaa: {  	s25 =	simm.s32 $0x1B8E;
	s24 =	sld [smem:$0x3FFE];
	[sflag:s23] =	ssyncadd.s32 $0xFFFFFFFF  }
0xab: {  	s26 =	simm.s32 $execute0_lowered;
	[smem:$0x3FD2] =	sst s25  }
0xac: {  	s7 =	sshll.u32 s26, $0x1;
	_ =	strace $0x80000046;
	[dreg:$0x1] =	wrdreg $0xFFFFFFFF  }
0xad: {  	s28 =	simm.s32 $_size_execute0_lowered;
	s5 =	sadd.s32 s5, s7;
	[dreg:$0x0] =	wrdreg $0x0  }
0xae: {  	s7 =	sshll.u32 s28, $0x1;
	[dreg:$0x2] =	wrdreg s5  }
0xaf: {  	[dreg:$0x3] =	wrdreg s7  }
0xb0: {  	[dreg:$0x4] =	wrdreg $0xC0  }
0xb1: {  	_ =	task [dreg:s9], $0x5FFFF  }
0xb2: {  	[dreg:$0x1] =	wrdreg $0xFFFFFFFF  }
0xb3: {  	[dreg:$0x0] =	wrdreg $0x60  }
0xb4: {  	[dreg:$0x2] =	wrdreg s17  }
0xb5: {  	[dreg:$0x3] =	wrdreg s16  }
0xb6: {  	[dreg:$0x4] =	wrdreg s15  }
0xb7: {  	[dreg:$0x5] =	wrdreg s24  }
0xb8: {  	[dreg:$0x6] =	wrdreg $0x9  }
0xb9: {  	_ =	task.clear_ibuf [dreg:s9], $0x7FFFF;
	_ =	strace $0x90000046  }
0xba: {  	s29 =	simm.s32 $0x9;
	_ =	strace $0x80000048  }
0xbb: {  	_ =	swait.ge [sflag:s29], $0x1  }
0xbc: {  	[sflag:s29] =	ssyncadd.s32 $0xFFFFFFFF  }
0xbd: {  	_ =	strace $0x90000048  }
0xbe: {  	_ =	sfence  }
0xbf: {  	s30 =	sld [smem:$0x0];
	_ =	sdelay $0x2  }
0xc0: {  	s31 =	sshll.u32 s1, $0xD;
	s1 =	sshrl.u32 s1, $0x2  }
0xc1: {  	s3 =	sand.u32 $0x4000, s31;
	s1 =	sadd.s32 s1, s30  }
0xc2: {  	s0 =	sor.u32 s3, s0;
	s1 =	sshll.u32 s1, $0x11  }
0xc3: {  	s0 =	sor.u32 s1, s0  }
0xc4: {  	s0 =	sadd.s32 $0x8F2B, s0  }
0xc5: {  	[sflag:s0] =	ssyncadd.remote.s32 $0x1  }
0xc6: {  	_ =	sfence.sel $0xFFFF  }
0xc7: {  	[dreg:$0x0] =	wrdreg $0xFFFFFFFF;
	(pc) =	sbr.abs _section_cstart, $3  }
0xc8: {  	[dreg:$0x1] =	wrdreg $0xFFFFFFFF  }
0xc9: {  	_ =	task.clear_ibuf [dreg:s9], $0x2FFFF;
	_ =	strace $0x9FFFFFFF  }
0xca: {  	(tm) =	ssettm $0x7FFFFFFF  }
0xcb: {  	_ =	shalt  }
tec
execute0_lowered:
.L_overlay_start_1:
0x0: {  	(tag) =	ssettag $0x1  }
0x1: {  	s2 =	stileid.u32  }
0x2: {  	s1 =	rddreg [dreg:$0x0];
	p0 =	sgt.u32 s2, $0x7  }
.Ltmp0:
0x3: {  	s7 =	rddreg [dreg:$0x1];
	(pc) =	sbr.rel @p0 .LBB2_3-.Ltmp0, $4  }
0x4: {  	s6 =	rddreg [dreg:$0x2]  }
0x5: {  	s4 =	rddreg [dreg:$0x3];
	s3 =	simm.s32 $0x0  }
0x6: {  	[smem:$0x7FF] =	sst s3  }
0x7: {  	s0 =	rddreg [dreg:$0x4];
	_ =	strace $0x80000047  }
0x8: {  	v0 =	vimm.s32 $0xFEDCBA98;
	v1 =	vimm.s32 $0x76543210  }
0x9: {  	v2 =	vimm.s32 $0xBA98FEDC;
	v3 =	vimm.s32 $0x32107654;
	v4 =	vimm.s32 $0xDCFE98BA  }
0xa: {  	s5 =	srdreg.scid;
	s8 =	sshrl.u32 s2, $0x2;
	v5 =	vimm.s32 $0x54761032;
	v6 =	vimm.s32 $0xEFCDAB89;
	v7 =	vimm.s32 $0x67452301  }
0xb: {  	s9 =	sshll.u32 s2, $0x8;
	s12 =	simm.s32 $0x300;
	s13 =	simm.s32 $0x1;
	v0 =	vunpack.c.l.s4.s8 v0;
	v1 =	vunpack.c.l.s4.s8 v1;
	v2 =	vunpack.c.l.s4.s8 v2  }
0xc: {  	s14 =	simm.s32 $0x2;
	s15 =	simm.s32 $0x3;
	s16 =	simm.s32 $0x780;
	v3 =	vunpack.c.l.s4.s8 v3;
	v4 =	vunpack.c.l.s4.s8 v4;
	v5 =	vunpack.c.l.s4.s8 v5  }
0xd: {  	s17 =	simm.s32 $0x480;
	s5 =	sand.u32 $0x1, s5;
	s8 =	smul.u32 $0xC00, s8;
	v6 =	vunpack.c.l.s4.s8 v6;
	v7 =	vunpack.c.l.s4.s8 v7;
	v0 =	vunpack.c.0.s8.s32 v0  }
0xe: {  	s9 =	sand.u32 $0x300, s9;
	s10 =	sshll.u32 s5, $0x7;
	s30 =	ssub.s32 $0x2, s5;
	v2 =	vunpack.c.0.s8.s32 v2;
	v3 =	vunpack.c.0.s8.s32 v3;
	v4 =	vunpack.c.0.s8.s32 v4  }
0xf: {  	s18 =	simm.s32 $0x600;
	s9 =	sor.u32 s10, s9;
	s11 =	sshrl.u32 s30, $0x1;
	v5 =	vunpack.c.0.s8.s32 v5;
	v6 =	vunpack.c.0.s8.s32 v6;
	v7 =	vunpack.c.0.s8.s32 v7  }
0x10: {  	v1 =	vunpack.c.0.s8.s32 v1;
	s10 =	simm.s32 $0x400;
	s8 =	sor.u32 s8, s9;
	s31 =	ssub.s32 s30, s11;
	v2 =	vcombine.low v3, v2  }
0x11: {  	s9 =	simm.s32 $0x80;
	s11 =	simm.s32 $0x180;
	s8 =	sshrl.u32 s8, $0x3;
	v3 =	vcombine.low v5, v4;
	v4 =	vcombine.low v7, v6;
	v0 =	vand.u32 $0xF, v0  }
0x12: {  	s29 =	sadd.s32 s8, s4;
	s6 =	sadd.s32 s6, s8;
	s7 =	sadd.s32 s7, s8;
	v0 =	vcombine.low v0, v1;
	v1 =	vand.u32 $0xF, v2  }
0x13: {  	s8 =	smax.u32 s31, $0x1;
	s4 =	sadd.s32 $0x1C00, s29;
	s5 =	sadd.s32 $0x2000, s29;
	v2 =	vand.u32 $0xF, v3;
	v3 =	vand.u32 $0xF, v4;
	v4 =	vimm.s32 $0x0  }
.LBB2_2:
0x14: {  	[tilespmem:s3], [sflag:$0x1] =	stream.linear.gather [hbm4b:s1+s3], $0x180, $0x38;
	[tilespmem:$0x800] =	vst v63  }
0x15: {  	_ = 	snop  }
0x16: {  	[tilespmem:s11], [sflag:$0x2] =	stream.strided.gather [hbm4b:s7+s9], $0x180, s10, s9, $0x38;
	[tilespmem:$0x800] =	vst v63  }
0x17: {  	_ = 	snop  }
0x18: {  	[tilespmem:s12], [sflag:$0x3] =	stream.strided.gather [hbm4b:s6+s9], $0x180, s10, s9, $0x38;
	[tilespmem:$0x800] =	vst v63  }
0x19: {  	_ =	swait.ge [sflag:s13], $0x180  }
0x1a: {  	[sflag:s13] =	ssyncset.done $0x0  }
0x1b: {  	[sflag:s13] =	ssyncadd.s32 $0xFFFFFE80  }
0x1c: {  	_ =	swait.ge [sflag:s14], $0x180  }
0x1d: {  	[sflag:s14] =	ssyncset.done $0x0  }
0x1e: {  	[sflag:s14] =	ssyncadd.s32 $0xFFFFFE80  }
0x1f: {  	_ =	swait.ge [sflag:s15], $0x180  }
0x20: {  	[sflag:s15] =	ssyncset.done $0x0  }
0x21: {  	[sflag:s15] =	ssyncadd.s32 $0xFFFFFE80  }
0x22: {  	v5 =	vld [tilespmem:$0x180]  }
0x23: {  	v6 =	vld [tilespmem:$0x0]  }
0x24: {  	v7 =	vld [tilespmem:$0x190]  }
0x25: {  	v8 =	vld [tilespmem:$0x10]  }
0x26: {  	v9 =	vld [tilespmem:$0x1A0]  }
0x27: {  	v10 =	vld [tilespmem:$0x20]  }
0x28: {  	v11 =	vld [tilespmem:$0x1B0]  }
0x29: {  	v12 =	vld [tilespmem:$0x30]  }
0x2a: {  	v13 =	vld [tilespmem:$0x1C0]  }
0x2b: {  	v14 =	vld [tilespmem:$0x40]  }
0x2c: {  	v15 =	vld [tilespmem:$0x1D0]  }
0x2d: {  	v16 =	vld [tilespmem:$0x50]  }
0x2e: {  	v17 =	vld [tilespmem:$0x1E0]  }
0x2f: {  	v18 =	vld [tilespmem:$0x60]  }
0x30: {  	v19 =	vld [tilespmem:$0x1F0]  }
0x31: {  	v20 =	vld [tilespmem:$0x70]  }
0x32: {  	v21 =	vld [tilespmem:$0x200]  }
0x33: {  	v22 =	vld [tilespmem:$0x80]  }
0x34: {  	v23 =	vld [tilespmem:$0x210]  }
0x35: {  	v24 =	vld [tilespmem:$0x90]  }
0x36: {  	v25 =	vld [tilespmem:$0x220]  }
0x37: {  	v26 =	vld [tilespmem:$0xA0]  }
0x38: {  	v27 =	vld [tilespmem:$0x230]  }
0x39: {  	v28 =	vld [tilespmem:$0xB0]  }
0x3a: {  	v29 =	vld [tilespmem:$0x240];
	v5 =	vsub.f32 $1.000000000e+00, v5;
	v7 =	vsub.f32 $1.000000000e+00, v7  }
0x3b: {  	v30 =	vld [tilespmem:$0xC0];
	v9 =	vsub.f32 $1.000000000e+00, v9  }
0x3c: {  	v50 =	vld [tilespmem:$0x250];
	v5 =	vmul.f32 v6, v5;
	v6 =	vmul.f32 v8, v7;
	v7 =	vsub.f32 $1.000000000e+00, v11  }
0x3d: {  	v52 =	vld [tilespmem:$0xD0];
	v51 =	vsub.f32 $1.000000000e+00, v13;
	v9 =	vmul.f32 v10, v9  }
0x3e: {  	v53 =	vld [tilespmem:$0x260];
	v5 =	vmax.f32 v5, v6;
	v6 =	vmul.f32 v12, v7;
	v7 =	vsub.f32 $1.000000000e+00, v15  }
0x3f: {  	v56 =	vld [tilespmem:$0xE0];
	v55 =	vsub.f32 $1.000000000e+00, v17;
	v54 =	vmul.f32 v14, v51;
	v5 =	vmax.f32 v5, v9  }
0x40: {  	v57 =	vld [tilespmem:$0x270];
	v5 =	vmax.f32 v5, v6;
	v6 =	vmul.f32 v16, v7;
	v7 =	vsub.f32 $1.000000000e+00, v19  }
0x41: {  	v60 =	vld [tilespmem:$0xF0];
	v59 =	vsub.f32 $1.000000000e+00, v21;
	v58 =	vmul.f32 v18, v55;
	v5 =	vmax.f32 v5, v54  }
0x42: {  	v61 =	vld [tilespmem:$0x280];
	v5 =	vmax.f32 v5, v6;
	v6 =	vmul.f32 v20, v7;
	v7 =	vsub.f32 $1.000000000e+00, v23  }
0x43: {  	v63 =	vsub.f32 $1.000000000e+00, v25;
	v21 =	vld [tilespmem:$0x100];
	v62 =	vmul.f32 v22, v59;
	v5 =	vmax.f32 v5, v58  }
0x44: {  	v25 =	vld [tilespmem:$0x110];
	v5 =	vmax.f32 v5, v6;
	v6 =	vmul.f32 v24, v7;
	v7 =	vsub.f32 $1.000000000e+00, v27  }
0x45: {  	v22 =	vld [tilespmem:$0x290];
	v23 =	vmul.f32 v26, v63;
	v24 =	vsub.f32 $1.000000000e+00, v29;
	v5 =	vmax.f32 v5, v62  }
0x46: {  	v26 =	vld [tilespmem:$0x2A0];
	v5 =	vmax.f32 v5, v6;
	v6 =	vmul.f32 v28, v7;
	v7 =	vsub.f32 $1.000000000e+00, v50  }
0x47: {  	v29 =	vld [tilespmem:$0x2B0];
	v27 =	vmul.f32 v30, v24;
	v28 =	vsub.f32 $1.000000000e+00, v53;
	v5 =	vmax.f32 v5, v23  }
0x48: {  	v30 =	vld [tilespmem:$0x120];
	v5 =	vmax.f32 v5, v6;
	v6 =	vmul.f32 v52, v7;
	v7 =	vsub.f32 $1.000000000e+00, v57  }
0x49: {  	v33 =	vld [tilespmem:$0x130];
	v32 =	vsub.f32 $1.000000000e+00, v61;
	v31 =	vmul.f32 v56, v28;
	v5 =	vmax.f32 v5, v27  }
0x4a: {  	v5 =	vmax.f32 v5, v6;
	v6 =	vmul.f32 v60, v7;
	v7 =	vsub.f32 $1.000000000e+00, v22  }
0x4b: {  	v34 =	vmul.f32 v21, v32;
	v8 =	vsub.f32 $1.000000000e+00, v26;
	v5 =	vmax.f32 v5, v31  }
0x4c: {  	v5 =	vmax.f32 v5, v6;
	v6 =	vmul.f32 v25, v7;
	v7 =	vsub.f32 $1.000000000e+00, v29  }
0x4d: {  	v8 =	vmul.f32 v30, v8;
	v5 =	vmax.f32 v5, v34  }
0x4e: {  	v5 =	vmax.f32 v5, v6;
	v6 =	vmul.f32 v33, v7  }
0x4f: {  	v5 =	vmax.f32 v5, v8  }
0x50: {  	v5 =	vmax.f32 v5, v6  }
0x51: {  	[tilespmem:$0x780] =	vst v5  }
0x52: {  	v6 =	vld.idx.msk [tilespmem:v0+s16+$0x0], $0xffff;
	_ =	sdelay $0x4  }
0x53: {  	v5 =	vmax.f32 v5, v6  }
0x54: {  	[tilespmem:$0x780] =	vst v5  }
0x55: {  	v6 =	vld.idx.msk [tilespmem:v1+s16+$0x0], $0xffff;
	_ =	sdelay $0x4  }
0x56: {  	v5 =	vmax.f32 v5, v6  }
0x57: {  	[tilespmem:$0x780] =	vst v5  }
0x58: {  	v6 =	vld.idx.msk [tilespmem:v2+s16+$0x0], $0xffff;
	_ =	sdelay $0x4  }
0x59: {  	v5 =	vmax.f32 v5, v6  }
0x5a: {  	[tilespmem:$0x780] =	vst v5  }
0x5b: {  	v6 =	vld.idx.msk [tilespmem:v3+s16+$0x0], $0xffff;
	_ =	sdelay $0x3  }
0x5c: {  	v35 =	vld [tilespmem:$0x190]  }
0x5d: {  	v7 =	vld [tilespmem:$0x180];
	v5 =	vmax.f32 v5, v6  }
0x5e: {  	v36 =	vld [tilespmem:$0x10];
	(erf) = vrcp.f32 v5  }
0x5f: {  	v38 =	vld [tilespmem:$0x1A0]  }
0x60: {  	v42 =	vld [tilespmem:$0x1C0]  }
0x61: {  	v44 =	vld [tilespmem:$0x1D0]  }
0x62: {  	v37 =	vsub.f32 $1.000000000e+00, v7;
	vm0 =	veq.f32 v7, $0.0e+00;
	v7 =	vld [tilespmem:$0x1B0]  }
0x63: {  	vm15 =	veq.f32 v35, $0.0e+00;
	v6 =	vld [tilespmem:$0x0]  }
0x64: {  	v48 =	vld [tilespmem:$0x1E0];
	v41 =	vsel vm15, $0x3F800000, v4;
	v39 =	vsel vm0, $0x3F800000, v4  }
0x65: {  	vm4 =	veq.f32 v38, $0.0e+00;
	v10 =	vadd.f32 v41, v39  }
0x66: {  	v40 =	vld [tilespmem:$0x20];
	v43 =	vsel vm4, $0x3F800000, v4  }
0x67: {  	vm6 =	veq.f32 v42, $0.0e+00;
	v8 =	vsub.f32 $1.000000000e+00, v35;
	v45 =	vadd.f32 v43, v10;
	v5 =	vpop (erf)  }
0x68: {  	v46 =	vld [tilespmem:$0x30];
	vm5 =	veq.f32 v7, $0.0e+00;
	v6 =	vmul.f32 v5, v6;
	v9 =	vmul.f32 v36, v5  }
0x69: {  	vm7 =	veq.f32 v44, $0.0e+00;
	vm8 =	veq.f32 v48, $0.0e+00;
	v47 =	vsel vm5, $0x3F800000, v4  }
0x6a: {  	v50 =	vld [tilespmem:$0x1F0];
	v6 =	vmul.f32 v37, v6;
	v8 =	vmul.f32 v8, v9;
	v9 =	vadd.f32 v47, v45  }
0x6b: {  	v49 =	vsel vm6, $0x3F800000, v4;
	v11 =	vsub.f32 $1.000000000e+00, v38;
	v12 =	vmul.f32 v40, v5  }
0x6c: {  	v53 =	vld [tilespmem:$0x200];
	v52 =	vsel vm7, $0x3F800000, v4;
	v6 =	vmul.f32 v39, v6;
	v9 =	vadd.f32 v49, v9  }
0x6d: {  	v7 =	vsub.f32 $1.000000000e+00, v7;
	v10 =	vmul.f32 v46, v5;
	v11 =	vmul.f32 v11, v12  }
0x6e: {  	v51 =	vld [tilespmem:$0x40];
	v8 =	vmul.f32 v41, v8;
	v6 =	vadd.f32 $0.0e+00, v6;
	v9 =	vadd.f32 v52, v9  }
0x6f: {  	v55 =	vld [tilespmem:$0x210];
	v54 =	vsel vm8, $0x3F800000, v4;
	vm9 =	veq.f32 v50, $0.0e+00;
	v7 =	vmul.f32 v7, v10  }
0x70: {  	v58 =	vld [tilespmem:$0x220];
	v11 =	vmul.f32 v43, v11;
	v6 =	vadd.f32 v8, v6;
	v9 =	vadd.f32 v54, v9  }
0x71: {  	v56 =	vld [tilespmem:$0x50];
	vm10 =	veq.f32 v53, $0.0e+00;
	v57 =	vsel vm9, $0x3F800000, v4  }
0x72: {  	v62 =	vld [tilespmem:$0x240];
	v7 =	vmul.f32 v47, v7;
	v6 =	vadd.f32 v11, v6;
	v9 =	vadd.f32 v57, v9  }
0x73: {  	v14 =	vsub.f32 $1.000000000e+00, v42;
	v18 =	vsub.f32 $1.000000000e+00, v48;
	v60 =	vld [tilespmem:$0x230];
	v59 =	vsel vm10, $0x3F800000, v4  }
0x74: {  	vm11 =	veq.f32 v55, $0.0e+00;
	v6 =	vadd.f32 v7, v6;
	v7 =	vld [tilespmem:$0x60];
	v9 =	vadd.f32 v59, v9  }
0x75: {  	v16 =	vsub.f32 $1.000000000e+00, v44;
	v61 =	vsel vm11, $0x3F800000, v4;
	v8 =	vmul.f32 v51, v5  }
0x76: {  	vm12 =	veq.f32 v58, $0.0e+00;
	v10 =	vmul.f32 v56, v5;
	v9 =	vadd.f32 v61, v9  }
0x77: {  	v63 =	vsel vm12, $0x3F800000, v4;
	vm14 =	veq.f32 v62, $0.0e+00;
	v33 =	vld [tilespmem:$0x250];
	v8 =	vmul.f32 v14, v8  }
0x78: {  	vm13 =	veq.f32 v60, $0.0e+00;
	v10 =	vmul.f32 v16, v10;
	v9 =	vadd.f32 v63, v9  }
0x79: {  	v35 =	vsel vm13, $0x3F800000, v4;
	v36 =	vld [tilespmem:$0x260];
	v8 =	vmul.f32 v49, v8;
	v7 =	vmul.f32 v7, v5  }
0x7a: {  	v37 =	vsel vm14, $0x3F800000, v4;
	v9 =	vadd.f32 v35, v9  }
0x7b: {  	v38 =	vld [tilespmem:$0x270];
	v10 =	vmul.f32 v52, v10;
	v6 =	vadd.f32 v8, v6;
	v7 =	vmul.f32 v18, v7  }
0x7c: {  	v42 =	vld [tilespmem:$0x280];
	vm15 =	veq.f32 v33, $0.0e+00;
	v9 =	vadd.f32 v37, v9  }
0x7d: {  	v30 =	vld [tilespmem:$0x2A0];
	v41 =	vsel vm15, $0x3F800000, v4;
	v6 =	vadd.f32 v10, v6;
	v7 =	vmul.f32 v54, v7  }
0x7e: {  	v29 =	vld [tilespmem:$0x290];
	vm4 =	veq.f32 v36, $0.0e+00;
	v9 =	vadd.f32 v41, v9  }
0x7f: {  	v34 =	vld [tilespmem:$0x70];
	v6 =	vadd.f32 v7, v6;
	v7 =	vsel vm4, $0x3F800000, v4  }
0x80: {  	v31 =	vld [tilespmem:$0x2B0];
	vm5 =	veq.f32 v38, $0.0e+00;
	v9 =	vadd.f32 v7, v9  }
0x81: {  	v45 =	vsel vm5, $0x3F800000, v4;
	v39 =	vld [tilespmem:$0x80]  }
0x82: {  	vm6 =	veq.f32 v42, $0.0e+00;
	v20 =	vsub.f32 $1.000000000e+00, v55;
	v43 =	vld [tilespmem:$0x90];
	v9 =	vadd.f32 v45, v9  }
0x83: {  	v48 =	vsel vm6, $0x3F800000, v4;
	v13 =	vsub.f32 $1.000000000e+00, v50;
	v44 =	vsub.f32 $1.000000000e+00, v53  }
0x84: {  	vm7 =	veq.f32 v29, $0.0e+00;
	v40 =	vmul.f32 v34, v5;
	v46 =	vld [tilespmem:$0xA0];
	v9 =	vadd.f32 v48, v9  }
0x85: {  	vm8 =	veq.f32 v30, $0.0e+00;
	vm9 =	veq.f32 v31, $0.0e+00;
	v50 =	vsel vm7, $0x3F800000, v4  }
0x86: {  	v11 =	vmul.f32 v13, v40;
	v10 =	vmul.f32 v39, v5;
	v9 =	vadd.f32 v50, v9  }
0x87: {  	v22 =	vsel vm8, $0x3F800000, v4;
	v55 =	vsel vm9, $0x3F800000, v4;
	v47 =	vmul.f32 v43, v5;
	v49 =	vld [tilespmem:$0xB0]  }
0x88: {  	v11 =	vmul.f32 v57, v11;
	v10 =	vmul.f32 v44, v10;
	v9 =	vadd.f32 v22, v9  }
0x89: {  	v53 =	vld [tilespmem:$0xC0];
	v52 =	vsub.f32 $1.000000000e+00, v58;
	v51 =	vmul.f32 v46, v5;
	v13 =	vmul.f32 v20, v47  }
0x8a: {  	v56 =	vld [tilespmem:$0xD0];
	v10 =	vmul.f32 v59, v10;
	v6 =	vadd.f32 v11, v6;
	v9 =	vadd.f32 v55, v9  }
0x8b: {  	v17 =	vsub.f32 $1.000000000e+00, v60;
	v54 =	vmul.f32 v52, v51  }
0x8c: {  	v57 =	vld [tilespmem:$0xE0];
	v12 =	vmul.f32 v61, v13;
	v11 =	vmul.f32 v49, v5;
	v6 =	vadd.f32 v10, v6;
	[tilespmem:$0x780] =	vst v9  }
0x8d: {  	v58 =	vsub.f32 $1.000000000e+00, v62;
	v8 =	vmul.f32 v63, v54;
	v59 =	vld.idx.msk [tilespmem:v0+s16+$0x0], $0xffff  }
0x8e: {  	v11 =	vmul.f32 v17, v11;
	v10 =	vmul.f32 v53, v5;
	v6 =	vadd.f32 v12, v6  }
0x8f: {  	v62 =	vsub.f32 $1.000000000e+00, v33;
	v61 =	vmul.f32 v56, v5;
	v63 =	vld [tilespmem:$0xF0]  }
0x90: {  	v32 =	vld [tilespmem:$0x100];
	v60 =	vmul.f32 v35, v11;
	v10 =	vmul.f32 v58, v10;
	v6 =	vadd.f32 v8, v6  }
0x91: {  	v26 =	vsub.f32 $1.000000000e+00, v36;
	v24 =	vmul.f32 v62, v61;
	v25 =	vmul.f32 v57, v5  }
0x92: {  	v23 =	vmul.f32 v37, v10;
	v6 =	vadd.f32 v60, v6;
	v9 =	vadd.f32 v9, v59  }
0x93: {  	v36 =	vsub.f32 $1.000000000e+00, v38;
	v33 =	vmul.f32 v41, v24  }
0x94: {  	v34 =	vmul.f32 v26, v25;
	v35 =	vmul.f32 v63, v5;
	v37 =	vld [tilespmem:$0x110];
	v6 =	vadd.f32 v23, v6;
	[tilespmem:$0x780] =	vst v9  }
0x95: {  	v40 =	vmul.f32 v32, v5;
	v41 =	vsub.f32 $1.000000000e+00, v42;
	v38 =	vld.idx.msk [tilespmem:v1+s16+$0x0], $0xffff  }
0x96: {  	v42 =	vld [tilespmem:$0x120];
	v7 =	vmul.f32 v7, v34;
	v39 =	vmul.f32 v36, v35;
	v6 =	vadd.f32 v33, v6  }
0x97: {  	v46 =	vld [tilespmem:$0x130]  }
0x98: {  	v43 =	vmul.f32 v41, v40;
	v6 =	vadd.f32 v7, v6;
	v7 =	vmul.f32 v45, v39  }
0x99: {  	v44 =	vmul.f32 v37, v5;
	v45 =	vsub.f32 $1.000000000e+00, v29  }
0x9a: {  	v6 =	vadd.f32 v7, v6;
	v7 =	vmul.f32 v48, v43;
	v9 =	vadd.f32 v38, v9  }
0x9b: {  	v49 =	vsub.f32 $1.000000000e+00, v30;
	v47 =	vmul.f32 v45, v44;
	v48 =	vmul.f32 v42, v5  }
0x9c: {  	v51 =	vmul.f32 v46, v5;
	v52 =	vsub.f32 $1.000000000e+00, v31;
	[tilespmem:$0x780] =	vst v9  }
0x9d: {  	v6 =	vadd.f32 v7, v6;
	v7 =	vmul.f32 v50, v47;
	v10 =	vmul.f32 v49, v48;
	v50 =	vld.idx.msk [tilespmem:v2+s16+$0x0], $0xffff;
	_ =	sdelay $0x1  }
0x9e: {  	v53 =	vmul.f32 v52, v51;
	v6 =	vadd.f32 v7, v6;
	v7 =	vmul.f32 v22, v10;
	_ =	sdelay $0x1  }
0x9f: {  	v6 =	vadd.f32 v7, v6;
	v7 =	vmul.f32 v55, v53  }
0xa0: {  	v8 =	vadd.f32 v50, v9  }
0xa1: {  	v6 =	vadd.f32 v7, v6  }
0xa2: {  	[tilespmem:$0x780] =	vst v8  }
0xa3: {  	v7 =	vld.idx.msk [tilespmem:v3+s16+$0x0], $0xffff;
	[tilespmem:$0x780] =	vst v6  }
0xa4: {  	v54 =	vld.idx.msk [tilespmem:v0+s16+$0x0], $0xffff;
	_ =	sdelay $0x4  }
0xa5: {  	v6 =	vadd.f32 v54, v6;
	_ =	sdelay $0x1  }
0xa6: {  	[tilespmem:$0x780] =	vst v6  }
0xa7: {  	v55 =	vld.idx.msk [tilespmem:v1+s16+$0x0], $0xffff;
	_ =	sdelay $0x4  }
0xa8: {  	v6 =	vadd.f32 v55, v6;
	_ =	sdelay $0x1  }
0xa9: {  	[tilespmem:$0x780] =	vst v6  }
0xaa: {  	v56 =	vld.idx.msk [tilespmem:v2+s16+$0x0], $0xffff;
	_ =	sdelay $0x2  }
0xab: {  	v7 =	vadd.f32 v7, v8;
	_ =	sdelay $0x1  }
0xac: {  	(erf) = vrcp.f32 v7;
	v6 =	vadd.f32 v56, v6;
	_ =	sdelay $0x1  }
0xad: {  	[tilespmem:$0x780] =	vst v6  }
0xae: {  	v7 =	vld.idx.msk [tilespmem:v3+s16+$0x0], $0xffff;
	_ =	sdelay $0x4  }
0xaf: {  	v21 =	vld [tilespmem:$0x1B0];
	v6 =	vadd.f32 v7, v6  }
0xb0: {  	v27 =	vld [tilespmem:$0x200];
	v7 =	vpop (erf)  }
0xb1: {  	v16 =	vld [tilespmem:$0x1A0];
	v6 =	vmul.f32 v6, v7  }
0xb2: {  	v14 =	vld [tilespmem:$0x190]  }
0xb3: {  	v13 =	vld [tilespmem:$0x180];
	v57 =	vsub.f32 $1.000000000e+00, v6  }
0xb4: {  	v25 =	vld [tilespmem:$0x1C0];
	(erf) = vrcp.f32 v6  }
0xb5: {  	v58 =	vld [tilespmem:$0x10];
	(erf) = vrcp.f32 v57  }
0xb6: {  	v6 =	vld [tilespmem:$0x0]  }
0xb7: {  	v33 =	vld [tilespmem:$0x30]  }
0xb8: {  	v28 =	vld [tilespmem:$0x20];
	vm9 =	veq.f32 v27, $0.0e+00;
	vm14 =	veq.f32 v21, $0.0e+00;
	vm13 =	veq.f32 v16, $0.0e+00  }
0xb9: {  	vm1 =	veq.f32 v14, $0.0e+00;
	vm11 =	veq.f32 v13, $0.0e+00;
	vm4 =	veq.f32 v25, $0.0e+00  }
0xba: {  	v30 =	vsub.f32 $1.000000000e+00, v14;
	v35 =	vsub.f32 $1.000000000e+00, v16;
	v29 =	vmul.f32 v58, v5  }
0xbb: {  	v59 =	vsub.f32 $1.000000000e+00, v13;
	v48 =	vld [tilespmem:$0x50];
	v7 =	vmul.f32 $4.800000000e+01, v7;
	v6 =	vmul.f32 v6, v5  }
0xbc: {  	v11 =	vmul.f32 v30, v29;
	v42 =	vsub.f32 $1.000000000e+00, v21;
	v18 =	vmul.f32 v33, v5  }
0xbd: {  	v10 =	vmul.f32 v28, v5;
	v61 =	vsub.f32 $1.000000000e+00, v7;
	v63 =	vmul.f32 v59, v6;
	v60 =	vpop (erf)  }
0xbe: {  	v29 =	vld [tilespmem:$0x1F0];
	v34 =	vsub.f32 $1.000000000e+00, v11;
	v47 =	vsub.f32 $1.000000000e+00, v25;
	v6 =	vmul.f32 v60, v7;
	v62 =	vpop (erf)  }
0xbf: {  	v20 =	vmul.f32 v35, v10;
	v7 =	vsub.f32 $1.000000000e+00, v63;
	v9 =	vmul.f32 v62, v61  }
0xc0: {  	v18 =	vmul.f32 v42, v18;
	v26 =	vmul.f32 v48, v5;
	vm10 =	vle.f32 v6, $1.000000000e+00  }
0xc1: {  	v40 =	vld [tilespmem:$0x40];
	v41 =	vsub.f32 $1.000000000e+00, v20;
	v8 =	vsel vm10, $0x3F800000, v4;
	v31 =	vmul.f32 v9, v7  }
0xc2: {  	v46 =	vsub.f32 $1.000000000e+00, v18;
	v61 =	vld [tilespmem:$0x60];
	v32 =	vmul.f32 v8, v63;
	v19 =	vmul.f32 v34, v9  }
0xc3: {  	v28 =	vld [tilespmem:$0x1E0];
	vm7 =	veq.f32 v29, $0.0e+00;
	v38 =	vmul.f32 v8, v11;
	v23 =	vmul.f32 v41, v9  }
0xc4: {  	v7 =	vsub.f32 $1.000000000e+00, v8;
	v44 =	vmul.f32 v8, v20;
	v50 =	vmul.f32 v46, v9  }
0xc5: {  	v53 =	vmul.f32 v8, v18;
	v17 =	vsub.f32 $1.000000000e+00, v31;
	v12 =	vmul.f32 v32, v6  }
0xc6: {  	v39 =	vsub.f32 $1.000000000e+00, v19;
	v45 =	vsub.f32 $1.000000000e+00, v23;
	v19 =	vmul.f32 v40, v5;
	v23 =	vld [tilespmem:$0x1D0]  }
0xc7: {  	v54 =	vsub.f32 $1.000000000e+00, v50;
	v42 =	vmul.f32 v61, v5;
	v17 =	vmul.f32 v17, v7  }
0xc8: {  	v36 =	vld [tilespmem:$0x300];
	vm6 =	veq.f32 v28, $0.0e+00;
	v49 =	vmul.f32 v45, v7;
	v24 =	vmul.f32 v47, v19  }
0xc9: {  	v19 =	vmul.f32 v54, v7;
	v37 =	vadd.f32 v17, v12;
	v12 =	vmul.f32 v38, v6  }
0xca: {  	v43 =	vld [tilespmem:$0x310];
	v17 =	vmul.f32 v39, v7;
	v56 =	vsub.f32 $1.000000000e+00, v24;
	v62 =	vmul.f32 v8, v24  }
0xcb: {  	v59 =	vsub.f32 $1.000000000e+00, v23;
	vm5 =	veq.f32 v23, $0.0e+00;
	v10 =	vsel vm11, v37, v63  }
0xcc: {  	v38 =	vld [tilespmem:$0x70];
	v12 =	vadd.f32 v17, v12;
	v17 =	vmul.f32 v44, v6;
	v58 =	vmul.f32 v56, v9  }
0xcd: {  	v52 =	vld [tilespmem:$0x320];
	v34 =	vmul.f32 v62, v6;
	vm0 =	vgt.f32 v10, v36;
	v26 =	vmul.f32 v59, v26  }
0xce: {  	v32 =	vld [tilespmem:$0x80];
	v11 =	vsel vm1, v12, v11;
	v51 =	vsel vm0, $0x3F800000, v4;
	v12 =	vadd.f32 v49, v17  }
0xcf: {  	v17 =	vmul.f32 v53, v6;
	v63 =	vsub.f32 $1.000000000e+00, v58;
	vm12 =	vgt.f32 v11, v43  }
0xd0: {  	v37 =	vsub.f32 $1.000000000e+00, v26;
	v43 =	vsub.f32 $1.000000000e+00, v28;
	v44 =	vmul.f32 v8, v26  }
0xd1: {  	v57 =	vld [tilespmem:$0x330];
	v22 =	vmul.f32 v38, v5;
	v55 =	vsel vm12, $0x3F800000, v4;
	v12 =	vsel vm13, v12, v20  }
0xd2: {  	v60 =	vadd.f32 v19, v17;
	v20 =	vadd.f32 v51, v13;
	v35 =	vmul.f32 v63, v7  }
0xd3: {  	v51 =	vmul.f32 v32, v5;
	vm0 =	vgt.f32 v12, v52;
	v19 =	vadd.f32 v55, v14  }
0xd4: {  	v41 =	vmul.f32 v37, v9;
	v45 =	vmul.f32 v43, v42;
	v52 =	vsub.f32 $1.000000000e+00, v27  }
0xd5: {  	v36 =	vld [tilespmem:$0x340];
	v33 =	vsel vm0, $0x3F800000, v4;
	v13 =	vsel vm14, v60, v18;
	v40 =	vadd.f32 v35, v34  }
0xd6: {  	v54 =	vld [tilespmem:$0x90];
	v16 =	vadd.f32 v33, v16;
	vm15 =	vgt.f32 v13, v57;
	v15 =	vsub.f32 $1.000000000e+00, v41  }
0xd7: {  	v32 =	vld [tilespmem:$0x210];
	v31 =	vsub.f32 $1.000000000e+00, v45;
	v33 =	vsub.f32 $1.000000000e+00, v29;
	v50 =	vmul.f32 v8, v45  }
0xd8: {  	v42 =	vld [tilespmem:$0xD0];
	v39 =	vsel vm15, $0x3F800000, v4;
	v14 =	vsel vm4, v40, v24;
	v24 =	vmul.f32 v44, v6  }
0xd9: {  	v17 =	vadd.f32 v39, v21;
	v15 =	vmul.f32 v15, v7;
	v48 =	vmul.f32 v31, v9  }
0xda: {  	v63 =	vld [tilespmem:$0xB0];
	vm0 =	vgt.f32 v14, v36;
	v49 =	vmul.f32 v33, v22;
	v55 =	vmul.f32 v50, v6  }
0xdb: {  	v31 =	vmul.f32 v52, v51;
	v33 =	vmul.f32 v54, v5;
	v46 =	vsel vm0, $0x3F800000, v4  }
0xdc: {  	v47 =	vld [tilespmem:$0x350];
	v37 =	vsub.f32 $1.000000000e+00, v32;
	vm10 =	veq.f32 v32, $0.0e+00;
	v18 =	vadd.f32 v46, v25  }
0xdd: {  	v40 =	vld [tilespmem:$0x240];
	v42 =	vmul.f32 v42, v5;
	v15 =	vadd.f32 v15, v24;
	v24 =	vsub.f32 $1.000000000e+00, v48  }
0xde: {  	v39 =	vld [tilespmem:$0x230];
	v53 =	vsub.f32 $1.000000000e+00, v49;
	v34 =	vmul.f32 v8, v49;
	v60 =	vmul.f32 v8, v31  }
0xdf: {  	v35 =	vsub.f32 $1.000000000e+00, v31;
	v62 =	vmul.f32 v37, v33;
	v37 =	vmul.f32 v63, v5  }
0xe0: {  	v15 =	vsel vm5, v15, v26;
	v24 =	vmul.f32 v24, v7;
	v26 =	vmul.f32 v53, v9  }
0xe1: {  	v57 =	vld [tilespmem:$0x360];
	v58 =	vmul.f32 v34, v6;
	v35 =	vmul.f32 v35, v9;
	v44 =	vsub.f32 $1.000000000e+00, v62  }
0xe2: {  	v33 =	vld [tilespmem:$0x220];
	v53 =	vsub.f32 $1.000000000e+00, v40;
	vm13 =	veq.f32 v40, $0.0e+00;
	vm0 =	vgt.f32 v15, v47  }
0xe3: {  	v47 =	vmul.f32 v8, v62;
	v51 =	vsub.f32 $1.000000000e+00, v39;
	v26 =	vsub.f32 $1.000000000e+00, v26  }
0xe4: {  	v59 =	vld [tilespmem:$0x370];
	vm12 =	veq.f32 v39, $0.0e+00;
	v24 =	vadd.f32 v24, v55;
	v35 =	vsub.f32 $1.000000000e+00, v35  }
0xe5: {  	v38 =	vld [tilespmem:$0xA0];
	v56 =	vsel vm0, $0x3F800000, v4;
	v46 =	vmul.f32 v44, v9;
	v26 =	vmul.f32 v26, v7  }
0xe6: {  	v36 =	vld [tilespmem:$0x380];
	v21 =	vsel vm6, v24, v45;
	v24 =	vmul.f32 v60, v6;
	v35 =	vmul.f32 v35, v7  }
0xe7: {  	v22 =	vadd.f32 v56, v23;
	v50 =	vsub.f32 $1.000000000e+00, v33;
	v45 =	vld [tilespmem:$0xC0];
	vm0 =	vgt.f32 v21, v57  }
0xe8: {  	v61 =	vadd.f32 v26, v58;
	v43 =	vsel vm0, $0x3F800000, v4;
	v24 =	vadd.f32 v35, v24  }
0xe9: {  	vm11 =	veq.f32 v33, $0.0e+00;
	v48 =	vsub.f32 $1.000000000e+00, v46;
	v26 =	vadd.f32 v43, v28  }
0xea: {  	v43 =	vld [tilespmem:$0x250];
	v23 =	vsel vm7, v61, v49;
	v24 =	vsel vm9, v24, v31;
	v49 =	vmul.f32 v38, v5  }
0xeb: {  	v31 =	vmul.f32 v48, v7;
	vm8 =	vgt.f32 v23, v59;
	vm0 =	vgt.f32 v24, v36  }
0xec: {  	v36 =	vmul.f32 v51, v37;
	v28 =	vmul.f32 v45, v5;
	v34 =	vsel vm8, $0x3F800000, v4  }
0xed: {  	v54 =	vsel vm0, $0x3F800000, v4;
	v25 =	vadd.f32 v34, v29;
	v29 =	vmul.f32 v47, v6  }
0xee: {  	v34 =	vmul.f32 v50, v49;
	v41 =	vsub.f32 $1.000000000e+00, v36;
	v28 =	vmul.f32 v53, v28  }
0xef: {  	v52 =	vld [tilespmem:$0x390];
	v37 =	vadd.f32 v54, v27;
	v61 =	vmul.f32 v8, v36;
	vm4 =	veq.f32 v43, $0.0e+00  }
0xf0: {  	v48 =	vld [tilespmem:$0x270];
	v29 =	vadd.f32 v31, v29;
	v55 =	vsub.f32 $1.000000000e+00, v34;
	v57 =	vmul.f32 v8, v34  }
0xf1: {  	v59 =	vmul.f32 v41, v9;
	v60 =	vsub.f32 $1.000000000e+00, v28;
	v35 =	vmul.f32 v61, v6  }
0xf2: {  	v46 =	vmul.f32 v8, v28;
	v27 =	vsel vm10, v29, v62;
	v56 =	vmul.f32 v55, v9  }
0xf3: {  	v63 =	vld [tilespmem:$0xF0];
	v30 =	vmul.f32 v57, v6;
	v38 =	vsub.f32 $1.000000000e+00, v59;
	v41 =	vmul.f32 v60, v9  }
0xf4: {  	v47 =	vld [tilespmem:$0xE0];
	vm0 =	vgt.f32 v27, v52;
	v52 =	vsub.f32 $1.000000000e+00, v43;
	v29 =	vsub.f32 $1.000000000e+00, v56  }
0xf5: {  	v58 =	vld [tilespmem:$0x3A0];
	v62 =	vmul.f32 v46, v6;
	v59 =	vsub.f32 $1.000000000e+00, v48;
	v41 =	vsub.f32 $1.000000000e+00, v41  }
0xf6: {  	v45 =	vld [tilespmem:$0x3B0];
	v44 =	vsel vm0, $0x3F800000, v4;
	v31 =	vmul.f32 v52, v42;
	v29 =	vmul.f32 v29, v7  }
0xf7: {  	v54 =	vld [tilespmem:$0x3C0];
	v38 =	vmul.f32 v38, v7;
	v32 =	vadd.f32 v44, v32;
	v41 =	vmul.f32 v41, v7  }
0xf8: {  	vm7 =	veq.f32 v48, $0.0e+00;
	v42 =	vsub.f32 $1.000000000e+00, v31;
	v29 =	vadd.f32 v29, v30  }
0xf9: {  	v55 =	vmul.f32 v47, v5;
	v35 =	vadd.f32 v38, v35;
	v30 =	vld [tilespmem:$0x260];
	v53 =	vadd.f32 v41, v62  }
0xfa: {  	[tilespmem:$0x600] =	vst v10;
	v62 =	vmul.f32 v8, v31;
	v61 =	vmul.f32 v42, v9;
	v29 =	vsel vm11, v29, v34  }
0xfb: {  	[tilespmem:$0x610] =	vst v11;
	v44 =	vld [tilespmem:$0x100];
	v34 =	vsel vm12, v35, v36;
	v28 =	vsel vm13, v53, v28;
	vm0 =	vgt.f32 v29, v58  }
0xfc: {  	[tilespmem:$0x650] =	vst v15;
	v15 =	vld [tilespmem:$0x2A0];
	vm14 =	vgt.f32 v34, v45;
	v58 =	vmul.f32 v63, v5;
	vm15 =	vgt.f32 v28, v54  }
0xfd: {  	[tilespmem:$0x620] =	vst v12;
	v35 =	vld [tilespmem:$0x290];
	v42 =	vsub.f32 $1.000000000e+00, v61;
	v45 =	vmul.f32 v62, v6;
	v57 =	vsel vm0, $0x3F800000, v4  }
0xfe: {  	[tilespmem:$0x480] =	vst v20;
	v62 =	vld [tilespmem:$0x120];
	v60 =	vsel vm14, $0x3F800000, v4;
	v49 =	vsel vm15, $0x3F800000, v4;
	v56 =	vsub.f32 $1.000000000e+00, v30  }
0xff: {  	[tilespmem:$0x490] =	vst v19;
	v51 =	vld [tilespmem:$0x3D0];
	v10 =	vadd.f32 v57, v33;
	v36 =	vmul.f32 v59, v58;
	v11 =	vadd.f32 v60, v39  }
0x100: {  	[tilespmem:$0x630] =	vst v13;
	v39 =	vld [tilespmem:$0x280];
	v33 =	vmul.f32 v42, v7;
	v12 =	vadd.f32 v49, v40;
	v58 =	vmul.f32 v44, v5  }
0x101: {  	[tilespmem:$0x4A0] =	vst v16;
	v57 =	vld [tilespmem:$0x110];
	vm5 =	veq.f32 v30, $0.0e+00;
	v44 =	vsub.f32 $1.000000000e+00, v15;
	v20 =	vmul.f32 v56, v55  }
0x102: {  	[tilespmem:$0x640] =	vst v14;
	v42 =	vld [tilespmem:$0x2B0];
	v47 =	vsub.f32 $1.000000000e+00, v36;
	v52 =	vadd.f32 v33, v45;
	v56 =	vmul.f32 v8, v36  }
0x103: {  	[tilespmem:$0x4D0] =	vst v22;
	v41 =	vsub.f32 $1.000000000e+00, v35;
	vm10 =	veq.f32 v35, $0.0e+00;
	v22 =	vmul.f32 v62, v5  }
0x104: {  	[tilespmem:$0x4B0] =	vst v17;
	v63 =	vsub.f32 $1.000000000e+00, v20;
	v50 =	vmul.f32 v8, v20;
	v38 =	vmul.f32 v47, v9  }
0x105: {  	[tilespmem:$0x4C0] =	vst v18;
	v13 =	vsel vm4, v52, v31;
	v60 =	vmul.f32 v56, v6;
	v59 =	vsub.f32 $1.000000000e+00, v39  }
0x106: {  	[tilespmem:$0x660] =	vst v21;
	vm0 =	vgt.f32 v13, v51;
	v40 =	vmul.f32 v57, v5;
	v46 =	vmul.f32 v63, v9  }
0x107: {  	[tilespmem:$0x4E0] =	vst v26;
	v22 =	vmul.f32 v44, v22;
	v47 =	vsub.f32 $1.000000000e+00, v42;
	v38 =	vsub.f32 $1.000000000e+00, v38  }
0x108: {  	[tilespmem:$0x670] =	vst v23;
	v53 =	vmul.f32 v50, v6;
	v17 =	vsel vm0, $0x3F800000, v4;
	v19 =	vsub.f32 $1.000000000e+00, v46  }
0x109: {  	[tilespmem:$0x680] =	vst v24;
	v14 =	vmul.f32 v59, v58;
	v17 =	vadd.f32 v17, v43;
	v61 =	vmul.f32 v38, v7;
	v38 =	vld [tilespmem:$0x130]  }
0x10a: {  	[tilespmem:$0x4F0] =	vst v25;
	v25 =	vmul.f32 v41, v40;
	v51 =	vsub.f32 $1.000000000e+00, v22;
	v55 =	vmul.f32 v19, v7  }
0x10b: {  	[tilespmem:$0x500] =	vst v37;
	v54 =	vld [tilespmem:$0x3E0];
	v58 =	vmul.f32 v8, v22;
	v33 =	vsub.f32 $1.000000000e+00, v14;
	v45 =	vmul.f32 v8, v14  }
0x10c: {  	[tilespmem:$0x690] =	vst v27;
	vm9 =	veq.f32 v39, $0.0e+00;
	v63 =	vld [tilespmem:$0x3F0];
	v46 =	vsub.f32 $1.000000000e+00, v25;
	v16 =	vadd.f32 v55, v53  }
0x10d: {  	[tilespmem:$0x540] =	vst v12;
	v12 =	vmul.f32 v58, v6;
	v18 =	vadd.f32 v61, v60;
	v19 =	vmul.f32 v45, v6  }
0x10e: {  	[tilespmem:$0x510] =	vst v32;
	v5 =	vmul.f32 v38, v5;
	v16 =	vsel vm5, v16, v20;
	v20 =	vmul.f32 v33, v9  }
0x10f: {  	[tilespmem:$0x6A0] =	vst v29;
	v50 =	vmul.f32 v46, v9;
	v18 =	vsel vm7, v18, v36;
	v53 =	vmul.f32 v8, v25  }
0x110: {  	[tilespmem:$0x6B0] =	vst v34;
	v55 =	vmul.f32 v51, v9;
	v5 =	vmul.f32 v47, v5;
	v20 =	vsub.f32 $1.000000000e+00, v20  }
0x111: {  	[tilespmem:$0x6C0] =	vst v28;
	vm8 =	vgt.f32 v18, v63;
	vm6 =	vgt.f32 v16, v54;
	v54 =	vsub.f32 $1.000000000e+00, v50  }
0x112: {  	[tilespmem:$0x520] =	vst v10;
	v52 =	vsel vm8, $0x3F800000, v4;
	v57 =	vsub.f32 $1.000000000e+00, v5;
	v49 =	vmul.f32 v20, v7  }
0x113: {  	[tilespmem:$0x530] =	vst v11;
	v56 =	vld [tilespmem:$0x400];
	v21 =	vmul.f32 v53, v6;
	v26 =	vadd.f32 v52, v48;
	v11 =	vmul.f32 v54, v7  }
0x114: {  	[tilespmem:$0x6D0] =	vst v13;
	v59 =	vld [tilespmem:$0x410];
	v9 =	vmul.f32 v57, v9;
	v10 =	vadd.f32 v49, v19;
	v19 =	vsub.f32 $1.000000000e+00, v55  }
0x115: {  	[tilespmem:$0x550] =	vst v17;
	v43 =	vsel vm6, $0x3F800000, v4;
	v8 =	vmul.f32 v8, v5;
	v11 =	vadd.f32 v11, v21  }
0x116: {  	v61 =	vld [tilespmem:$0x420];
	[tilespmem:$0x6F0] =	vst v18;
	v23 =	vadd.f32 v43, v30;
	v9 =	vsub.f32 $1.000000000e+00, v9;
	v60 =	vmul.f32 v19, v7  }
0x117: {  	[tilespmem:$0x6E0] =	vst v16;
	v6 =	vmul.f32 v8, v6;
	v11 =	vsel vm10, v11, v25;
	v10 =	vsel vm9, v10, v14  }
0x118: {  	v63 =	vld [tilespmem:$0x430];
	[tilespmem:$0x570] =	vst v26;
	vm11 =	vgt.f32 v10, v56;
	v7 =	vmul.f32 v9, v7;
	v12 =	vadd.f32 v60, v12  }
0x119: {  	vm12 =	veq.f32 v15, $0.0e+00;
	[tilespmem:$0x560] =	vst v23;
	vm0 =	vgt.f32 v11, v59;
	v62 =	vsel vm11, $0x3F800000, v4  }
0x11a: {  	[tilespmem:$0x710] =	vst v11;
	v8 =	vadd.f32 v62, v39;
	v6 =	vadd.f32 v7, v6;
	v12 =	vsel vm12, v12, v22  }
0x11b: {  	vm14 =	veq.f32 v42, $0.0e+00;
	[tilespmem:$0x700] =	vst v10;
	v7 =	vsel vm0, $0x3F800000, v4;
	vm13 =	vgt.f32 v12, v61  }
0x11c: {  	v7 =	vadd.f32 v7, v35;
	[tilespmem:$0x580] =	vst v8;
	v5 =	vsel vm14, v6, v5;
	v6 =	vsel vm13, $0x3F800000, v4  }
0x11d: {  	[tilespmem:$0x720] =	vst v12;
	vm15 =	vgt.f32 v5, v63;
	v6 =	vadd.f32 v6, v15  }
0x11e: {  	[tilespmem:$0x590] =	vst v7;
	v7 =	vsel vm15, $0x3F800000, v4  }
0x11f: {  	[tilespmem:$0x5A0] =	vst v6;
	v6 =	vadd.f32 v7, v42  }
0x120: {  	[tilespmem:$0x730] =	vst v5  }
0x121: {  	[tilespmem:$0x5B0] =	vst v6  }
0x122: {  	[hbm4b:s4+s9] =	stream.strided.scatter [tilespmem:s17], [sflag:$0x1], $0x180, s10, s9, $0x38;
	[tilespmem:$0x800] =	vst v63  }
0x123: {  	_ = 	snop  }
0x124: {  	[hbm4b:s5+s9] =	stream.strided.scatter [tilespmem:s18], [sflag:$0x2], $0x180, s10, s9, $0x38;
	[tilespmem:$0x800] =	vst v63  }
0x125: {  	p0 =	sne.s32 s8, $0x1;
	_ =	swait.ge [sflag:s13], $0x180  }
.Ltmp1:
0x126: {  	[sflag:s13] =	ssyncset.done $0x0;
	(pc) =	sbr.rel @p0 .LBB2_2-.Ltmp1, $4  }
0x127: {  	[sflag:s13] =	ssyncadd.s32 $0xFFFFFE80  }
0x128: {  	_ =	swait.ge [sflag:s14], $0x180  }
0x129: {  	[sflag:s14] =	ssyncset.done $0x0  }
0x12a: {  	s8 =	sadd.s32 $0xFFFFFFFF, s8;
	[sflag:s14] =	ssyncadd.s32 $0xFFFFFE80  }
.LBB2_3:
0x12b: {  	_ =	sfence.sel $0x180000  }
0x12c: {  	[bflag:$0x0] =	sbarrier.arrive $0xFFFF  }
0x12d: {  	p0 =	sne.s32 s2, $0x0;
	_ =	strace $0x90000047  }
0x12e: {  	s0 =	sadd.s32 @!p0 $0x100000, s0;
	[bflag:$0x2] =	sbarrier.arrive $0xFFFF  }
0x12f: {  	[sflag:s0] =	ssyncadd.tile.s32 @!p0 $0x1;
	_ =	shalt  }
.Lfunc_end2:
_tile_overlayer_lowered:
.L_overlay_start_2:
0x130: {  	(tag) =	ssettag $0x2  }
0x131: {  	s0 =	rddreg [dreg:$0x0];
	s2 =	stileid.u32  }
0x132: {  	s1 =	rddreg [dreg:$0x1];
	p0 =	sne.s32 s2, $0x0  }
0x133: {  	s3 =	rddreg [dreg:$0x2];
	[bflag:$0x3] =	sbarrier.arrive $0xFFFF;
	s2 =	simm.s32 @!p0 $0x1C04  }
0x134: {  	[timem:s3], [sflag:s2] =	dma.local @!p0 [hbm:s0], s1  }
0x135: {  	s0 =	simm.s32 @!p0 $0x4  }
0x136: {  	_ =	swait.ge @!p0 [sflag:s0], s1  }
0x137: {  	s1 =	ssub.s32 @!p0 $0x0, s1;
	[sflag:s0] =	ssyncset.done @!p0 $0x0  }
0x138: {  	[sflag:s0] =	ssyncadd.s32 @!p0 s1  }
0x139: {  	[bflag:$0x3] =	sbarrier.arrive $0xFFFF  }
0x13a: {  	_ =	shalt  }

</sc_bundles>
